<compile_context>
chip_gen: v7x
topology: tpu7x:2x2x1
jax: 0.10.2.dev20260603
libtpu: 0.0.44.dev20260713+nightly
codegen_flags: <defaults>
</compile_context>

<pallas_src>
import functools
import jax
import jax.numpy as jnp
from jax import lax
from jax.experimental import pallas as pl
from jax.experimental.pallas import tpu as pltpu
from jax.experimental.pallas import tpu_sc as plsc

_NC, _NS, _LANES = 2, 16, 16
_NW = _NC * _NS
_D = 128
_T = 128
_G = 16

_GDN = lax.GatherDimensionNumbers(offset_dims=(), collapsed_slice_dims=(0,),
                                  start_index_map=(0,))


def _bcast_lane(v, lane):
    gi = jnp.full((_LANES, 1), lane, jnp.int32)
    return lax.gather(v, gi, _GDN, (1,),
                      mode=lax.GatherScatterMode.PROMISE_IN_BOUNDS)


def _sc_body(coords_hbm, ia_hbm, ic_hbm, W_hbm, b_hbm,
             atab_hbm, ctab_hbm, out_hbm,
             idxa_v, idxc_v, coords_v,
             atab_v, ctab_v, out0, out1, W_v, b_v,
             so0, so1, n_tok):
    pw = n_tok // _NW
    nch = pw // _T
    wid = lax.axis_index("s") * _NC + lax.axis_index("c")
    base = wid * pw

    outs = [out0, out1]
    osems = [so0, so1]

    pro = [
        pltpu.async_copy(W_hbm, W_v, so0),
        pltpu.async_copy(b_hbm, b_v, so0),
        pltpu.async_copy(atab_hbm, atab_v, so0),
        pltpu.async_copy(ctab_hbm, ctab_v, so0),
        pltpu.async_copy(ia_hbm.at[pl.ds(base, pw)],
                         idxa_v.at[pl.ds(0, pw)], so0),
        pltpu.async_copy(ic_hbm.at[pl.ds(base, pw)],
                         idxc_v.at[pl.ds(0, pw)], so0),
        pltpu.async_copy(coords_hbm.at[pl.ds(base * 3, pw * 3)],
                         coords_v.at[pl.ds(0, pw * 3)], so0),
    ]
    for c in pro:
        c.wait()
    Wc = [[W_v[pl.ds(c * _D + 16 * k, 16)] for k in range(8)] for c in range(3)]
    bc = [b_v[pl.ds(16 * k, 16)] for k in range(8)]

    def pair_body(cp, carry):
        for b2 in (0, 1):
            ci = cp * 2 + b2
            ct = ci * _T
            cb = base + ct
            cbase3 = ct * 3

            @pl.when(cp > 0)
            def _wait_out():
                pltpu.make_async_copy(outs[b2],
                                      out_hbm.at[pl.ds(cb, _T)],
                                      osems[b2]).wait()

            ov = outs[b2]

            @plsc.parallel_loop(0, _T, 1, unroll=2)
            def proj_body(t):
                v = coords_v[pl.ds(cbase3 + 3 * t, _LANES)]
                bx = _bcast_lane(v, 0)
                by = _bcast_lane(v, 1)
                bz = _bcast_lane(v, 2)
                for k in range(8):
                    pr = (bc[k] + bx * Wc[0][k] + by * Wc[1][k]
                          + bz * Wc[2][k])
                    h = pr / (1.0 + jnp.exp(-pr))
                    ov[t, pl.ds(16 * k, 16)] = h

            @plsc.parallel_loop(0, _T, 1, unroll=2)
            def rows_body(t):
                va = idxa_v[pl.ds(ct + t, _LANES)]
                vc = idxc_v[pl.ds(ct + t, _LANES)]
                ab = va[0] * _D
                cbx = vc[0] * _D
                la = [atab_v[pl.ds(ab + 16 * k, 16)] for k in range(8)]
                lc = [ctab_v[pl.ds(cbx + 16 * k, 16)] for k in range(8)]
                for k in range(8):
                    plsc.addupdate(ov.at[t, pl.ds(16 * k, 16)],
                                   la[k] + lc[k])

            pltpu.async_copy(ov, out_hbm.at[pl.ds(cb, _T)], osems[b2])
        return carry

    lax.fori_loop(0, nch // 2, pair_body, 0)

    for b2 in (0, 1):
        cb = base + (nch - 2 + b2) * _T
        pltpu.make_async_copy(outs[b2], out_hbm.at[pl.ds(cb, _T)],
                              osems[b2]).wait()


def kernel(coords, atom_types, residue_types, meta_classes, W_coord, b_coord,
           atom_table, residue_table, meta_table):
    B, L, D = coords.shape[0], coords.shape[1], W_coord.shape[1]
    N = B * L
    pw = N // _NW
    coords_f = coords.reshape(N * 3)
    ia = atom_types.reshape(N)
    ic = (residue_types * 16 + meta_classes).reshape(N)
    W_f = W_coord.reshape(3 * D)
    atab_f = atom_table.reshape(128 * D)
    ctab_f = (residue_table[:, None, :] + meta_table[None, :, :]
              ).reshape(512 * D)

    mesh = plsc.VectorSubcoreMesh(core_axis_name="c", subcore_axis_name="s",
                                  num_cores=_NC, num_subcores=_NS)
    sc_fn = pl.kernel(
        functools.partial(_sc_body, n_tok=N),
        out_type=jax.ShapeDtypeStruct((N, _D), jnp.float32),
        mesh=mesh,
        scratch_types=[
            pltpu.VMEM((pw + _LANES,), jnp.int32),
            pltpu.VMEM((pw + _LANES,), jnp.int32),
            pltpu.VMEM((pw * 3 + _LANES,), jnp.float32),
            pltpu.VMEM((128 * _D,), jnp.float32),
            pltpu.VMEM((512 * _D,), jnp.float32),
            pltpu.VMEM((_T, _D), jnp.float32),
            pltpu.VMEM((_T, _D), jnp.float32),
            pltpu.VMEM((3 * _D,), jnp.float32),
            pltpu.VMEM((_D,), jnp.float32),
            pltpu.SemaphoreType.DMA,
            pltpu.SemaphoreType.DMA,
        ],
    )
    out = sc_fn(coords_f, ia, ic, W_f, b_coord, atab_f, ctab_f)
    return out.reshape(B, L, D)

# --- scband reference (transcript-rebuilt; emitter-appended) ---
"""Pipeline reference for scband-atom-embedding-20340965113895 (READ-ONLY COPY).

The authoritative reference and input builder live on the scoring server;
editing this copy changes nothing except your own understanding.
"""

import jax, jax.numpy as jnp
import numpy as np

B, L, D = 16, 4096, 128
NUM_ATOM_TYPES, NUM_RESIDUE_TYPES, NUM_META_CLASSES = 128, 32, 16


def setup_inputs(seed: int = 0) -> dict:
    key = jax.random.key(seed)
    ks = jax.random.split(key, 8)
    coords = jax.random.normal(ks[0], (B, L, 3), dtype=jnp.float32)
    atom_types = jax.random.randint(ks[1], (B, L), 0, NUM_ATOM_TYPES, dtype=jnp.int32)
    residue_types = jax.random.randint(ks[2], (B, L), 0, NUM_RESIDUE_TYPES, dtype=jnp.int32)
    meta_classes = jax.random.randint(ks[3], (B, L), 0, NUM_META_CLASSES, dtype=jnp.int32)
    W_coord = jax.random.normal(ks[4], (3, D), dtype=jnp.float32) * (1.0 / np.sqrt(3.0))
    b_coord = jnp.zeros((D,), dtype=jnp.float32)
    atom_table = (jax.random.normal(ks[5], (NUM_ATOM_TYPES, D), dtype=jnp.float32)).at[0].set(0.0)
    residue_table = (jax.random.normal(ks[6], (NUM_RESIDUE_TYPES, D), dtype=jnp.float32)).at[0].set(0.0)
    meta_table = jax.random.normal(ks[7], (NUM_META_CLASSES, D), dtype=jnp.float32)
    return {
        'coords': coords,
        'atom_types': atom_types,
        'residue_types': residue_types,
        'meta_classes': meta_classes,
        'W_coord': W_coord,
        'b_coord': b_coord,
        'atom_table': atom_table,
        'residue_table': residue_table,
        'meta_table': meta_table,
    }


def reference(coords, atom_types, residue_types, meta_classes, W_coord, b_coord, atom_table, residue_table, meta_table):
    # coord_proj: Linear(3, d_model) + SiLU
    proj = jax.nn.silu(jnp.einsum('blc,cd->bld', coords, W_coord) + b_coord)
    # embedding lookups (gathers)
    h = proj
    h = h + jnp.take(atom_table, atom_types, axis=0)
    h = h + jnp.take(residue_table, residue_types, axis=0)
    h = h + jnp.take(meta_table, meta_classes, axis=0)
    return h

if __name__ == "__main__":
    import jax
    _d = setup_inputs()
    print(jax.jit(kernel)(*tuple(_d.values())))

</pallas_src>

<mosaic_0001>
#map = affine_map<(d0, d1) -> (0)>
#map1 = affine_map<(d0, d1) -> (0, 0)>
module attributes {stable_mosaic.version = 14 : i64} {
  func.func @_sc_body(%arg0: i32, %arg1: i32, %arg2: memref<196608xf32, #tpu.memory_space<hbm>>, %arg3: memref<65536xi32, #tpu.memory_space<hbm>>, %arg4: memref<65536xi32, #tpu.memory_space<hbm>>, %arg5: memref<384xf32, #tpu.memory_space<hbm>>, %arg6: memref<128xf32, #tpu.memory_space<hbm>>, %arg7: memref<16384xf32, #tpu.memory_space<hbm>>, %arg8: memref<65536xf32, #tpu.memory_space<hbm>>, %arg9: memref<65536x128xf32, #tpu.memory_space<hbm>>, %arg10: memref<2064xi32, #tpu.memory_space<vmem>>, %arg11: memref<2064xi32, #tpu.memory_space<vmem>>, %arg12: memref<6160xf32, #tpu.memory_space<vmem>>, %arg13: memref<16384xf32, #tpu.memory_space<vmem>>, %arg14: memref<65536xf32, #tpu.memory_space<vmem>>, %arg15: memref<128x128xf32, #tpu.memory_space<vmem>>, %arg16: memref<128x128xf32, #tpu.memory_space<vmem>>, %arg17: memref<384xf32, #tpu.memory_space<vmem>>, %arg18: memref<128xf32, #tpu.memory_space<vmem>>, %arg19: memref<!tpu.dma_semaphore, #tpu.memory_space<semaphore_mem>>, %arg20: memref<!tpu.dma_semaphore, #tpu.memory_space<semaphore_mem>>) attributes {dimension_semantics = [#tpu.dimension_semantics<core_parallel>, #tpu.dimension_semantics<subcore_parallel>], iteration_bounds = array<i64: 2, 16>, scalar_prefetch = 0 : i64, scratch_operands = 11 : i64, tpu.core_type = #tpu.core_type<sc_vector_subcore>, window_params = [{transform_indices = #map}, {transform_indices = #map}, {transform_indices = #map}, {transform_indices = #map}, {transform_indices = #map}, {transform_indices = #map}, {transform_indices = #map}, {transform_indices = #map1}]} {
    %mul3A = arith.constant 2 : i32
    %mul3A_0 = arith.muli %arg1, %mul3A : i32
    %add3A = arith.addi %mul3A_0, %arg0 : i32
    %mul3A_1 = arith.constant 2048 : i32
    %mul3A_2 = arith.muli %add3A, %mul3A_1 : i32
    tpu.enqueue_dma source(%arg5 : memref<384xf32, #tpu.memory_space<hbm>>) target(%arg17 : memref<384xf32, #tpu.memory_space<vmem>>) target_semaphore(%arg19 : memref<!tpu.dma_semaphore, #tpu.memory_space<semaphore_mem>>)
    tpu.enqueue_dma source(%arg6 : memref<128xf32, #tpu.memory_space<hbm>>) target(%arg18 : memref<128xf32, #tpu.memory_space<vmem>>) target_semaphore(%arg19 : memref<!tpu.dma_semaphore, #tpu.memory_space<semaphore_mem>>)
    tpu.enqueue_dma source(%arg7 : memref<16384xf32, #tpu.memory_space<hbm>>) target(%arg13 : memref<16384xf32, #tpu.memory_space<vmem>>) target_semaphore(%arg19 : memref<!tpu.dma_semaphore, #tpu.memory_space<semaphore_mem>>)
    tpu.enqueue_dma source(%arg8 : memref<65536xf32, #tpu.memory_space<hbm>>) target(%arg14 : memref<65536xf32, #tpu.memory_space<vmem>>) target_semaphore(%arg19 : memref<!tpu.dma_semaphore, #tpu.memory_space<semaphore_mem>>)
    %dma_start3A = arith.constant 0 : i32
    %dma_start3A_3 = tpu.memref_slice %arg10[%dma_start3A] : memref<2064xi32, #tpu.memory_space<vmem>> -> memref<2048xi32, #tpu.memory_space<vmem>>
    %dma_start3A_4 = tpu.memref_slice %arg3[%mul3A_2] : memref<65536xi32, #tpu.memory_space<hbm>> -> memref<2048xi32, #tpu.memory_space<hbm>>
    %dma_start3A_5 = arith.constant 0 : i32
    %dma_start3A_6 = tpu.memref_slice %arg10[%dma_start3A_5] : memref<2064xi32, #tpu.memory_space<vmem>> -> memref<2048xi32, #tpu.memory_space<vmem>>
    %dma_start3A_7 = tpu.memref_slice %arg3[%mul3A_2] : memref<65536xi32, #tpu.memory_space<hbm>> -> memref<2048xi32, #tpu.memory_space<hbm>>
    tpu.enqueue_dma source(%dma_start3A_7 : memref<2048xi32, #tpu.memory_space<hbm>>) target(%dma_start3A_6 : memref<2048xi32, #tpu.memory_space<vmem>>) target_semaphore(%arg19 : memref<!tpu.dma_semaphore, #tpu.memory_space<semaphore_mem>>)
    %dma_start3A_8 = arith.constant 0 : i32
    %dma_start3A_9 = tpu.memref_slice %arg11[%dma_start3A_8] : memref<2064xi32, #tpu.memory_space<vmem>> -> memref<2048xi32, #tpu.memory_space<vmem>>
    %dma_start3A_10 = tpu.memref_slice %arg4[%mul3A_2] : memref<65536xi32, #tpu.memory_space<hbm>> -> memref<2048xi32, #tpu.memory_space<hbm>>
    %dma_start3A_11 = arith.constant 0 : i32
    %dma_start3A_12 = tpu.memref_slice %arg11[%dma_start3A_11] : memref<2064xi32, #tpu.memory_space<vmem>> -> memref<2048xi32, #tpu.memory_space<vmem>>
    %dma_start3A_13 = tpu.memref_slice %arg4[%mul3A_2] : memref<65536xi32, #tpu.memory_space<hbm>> -> memref<2048xi32, #tpu.memory_space<hbm>>
    tpu.enqueue_dma source(%dma_start3A_13 : memref<2048xi32, #tpu.memory_space<hbm>>) target(%dma_start3A_12 : memref<2048xi32, #tpu.memory_space<vmem>>) target_semaphore(%arg19 : memref<!tpu.dma_semaphore, #tpu.memory_space<semaphore_mem>>)
    %mul3A_14 = arith.constant 3 : i32
    %mul3A_15 = arith.muli %mul3A_2, %mul3A_14 : i32
    %dma_start3A_16 = arith.constant 0 : i32
    %dma_start3A_17 = tpu.memref_slice %arg12[%dma_start3A_16] : memref<6160xf32, #tpu.memory_space<vmem>> -> memref<6144xf32, #tpu.memory_space<vmem>>
    %dma_start3A_18 = tpu.memref_slice %arg2[%mul3A_15] : memref<196608xf32, #tpu.memory_space<hbm>> -> memref<6144xf32, #tpu.memory_space<hbm>>
    %dma_start3A_19 = arith.constant 0 : i32
    %dma_start3A_20 = tpu.memref_slice %arg12[%dma_start3A_19] : memref<6160xf32, #tpu.memory_space<vmem>> -> memref<6144xf32, #tpu.memory_space<vmem>>
    %dma_start3A_21 = tpu.memref_slice %arg2[%mul3A_15] : memref<196608xf32, #tpu.memory_space<hbm>> -> memref<6144xf32, #tpu.memory_space<hbm>>
    tpu.enqueue_dma source(%dma_start3A_21 : memref<6144xf32, #tpu.memory_space<hbm>>) target(%dma_start3A_20 : memref<6144xf32, #tpu.memory_space<vmem>>) target_semaphore(%arg19 : memref<!tpu.dma_semaphore, #tpu.memory_space<semaphore_mem>>)
    tpu.wait_dma2 semaphore(%arg19 : memref<!tpu.dma_semaphore, #tpu.memory_space<semaphore_mem>>) src(%arg5 : memref<384xf32, #tpu.memory_space<hbm>>) dst(%arg17 : memref<384xf32, #tpu.memory_space<vmem>>)
    tpu.wait_dma2 semaphore(%arg19 : memref<!tpu.dma_semaphore, #tpu.memory_space<semaphore_mem>>) src(%arg6 : memref<128xf32, #tpu.memory_space<hbm>>) dst(%arg18 : memref<128xf32, #tpu.memory_space<vmem>>)
    tpu.wait_dma2 semaphore(%arg19 : memref<!tpu.dma_semaphore, #tpu.memory_space<semaphore_mem>>) src(%arg7 : memref<16384xf32, #tpu.memory_space<hbm>>) dst(%arg13 : memref<16384xf32, #tpu.memory_space<vmem>>)
    tpu.wait_dma2 semaphore(%arg19 : memref<!tpu.dma_semaphore, #tpu.memory_space<semaphore_mem>>) src(%arg8 : memref<65536xf32, #tpu.memory_space<hbm>>) dst(%arg14 : memref<65536xf32, #tpu.memory_space<vmem>>)
    %dma_wait3A = arith.constant 0 : i32
    %dma_wait3A_22 = tpu.memref_slice %arg10[%dma_wait3A] : memref<2064xi32, #tpu.memory_space<vmem>> -> memref<2048xi32, #tpu.memory_space<vmem>>
    %dma_wait3A_23 = tpu.memref_slice %arg3[%mul3A_2] : memref<65536xi32, #tpu.memory_space<hbm>> -> memref<2048xi32, #tpu.memory_space<hbm>>
    %dma_wait3A_24 = arith.constant 0 : i32
    %dma_wait3A_25 = tpu.memref_slice %arg10[%dma_wait3A_24] : memref<2064xi32, #tpu.memory_space<vmem>> -> memref<2048xi32, #tpu.memory_space<vmem>>
    %dma_wait3A_26 = tpu.memref_slice %arg3[%mul3A_2] : memref<65536xi32, #tpu.memory_space<hbm>> -> memref<2048xi32, #tpu.memory_space<hbm>>
    tpu.wait_dma2 semaphore(%arg19 : memref<!tpu.dma_semaphore, #tpu.memory_space<semaphore_mem>>) src(%dma_wait3A_26 : memref<2048xi32, #tpu.memory_space<hbm>>) dst(%dma_wait3A_25 : memref<2048xi32, #tpu.memory_space<vmem>>)
    %dma_wait3A_27 = arith.constant 0 : i32
    %dma_wait3A_28 = tpu.memref_slice %arg11[%dma_wait3A_27] : memref<2064xi32, #tpu.memory_space<vmem>> -> memref<2048xi32, #tpu.memory_space<vmem>>
    %dma_wait3A_29 = tpu.memref_slice %arg4[%mul3A_2] : memref<65536xi32, #tpu.memory_space<hbm>> -> memref<2048xi32, #tpu.memory_space<hbm>>
    %dma_wait3A_30 = arith.constant 0 : i32
    %dma_wait3A_31 = tpu.memref_slice %arg11[%dma_wait3A_30] : memref<2064xi32, #tpu.memory_space<vmem>> -> memref<2048xi32, #tpu.memory_space<vmem>>
    %dma_wait3A_32 = tpu.memref_slice %arg4[%mul3A_2] : memref<65536xi32, #tpu.memory_space<hbm>> -> memref<2048xi32, #tpu.memory_space<hbm>>
    tpu.wait_dma2 semaphore(%arg19 : memref<!tpu.dma_semaphore, #tpu.memory_space<semaphore_mem>>) src(%dma_wait3A_32 : memref<2048xi32, #tpu.memory_space<hbm>>) dst(%dma_wait3A_31 : memref<2048xi32, #tpu.memory_space<vmem>>)
    %dma_wait3A_33 = arith.constant 0 : i32
    %dma_wait3A_34 = tpu.memref_slice %arg12[%dma_wait3A_33] : memref<6160xf32, #tpu.memory_space<vmem>> -> memref<6144xf32, #tpu.memory_space<vmem>>
    %dma_wait3A_35 = tpu.memref_slice %arg2[%mul3A_15] : memref<196608xf32, #tpu.memory_space<hbm>> -> memref<6144xf32, #tpu.memory_space<hbm>>
    %dma_wait3A_36 = arith.constant 0 : i32
    %dma_wait3A_37 = tpu.memref_slice %arg12[%dma_wait3A_36] : memref<6160xf32, #tpu.memory_space<vmem>> -> memref<6144xf32, #tpu.memory_space<vmem>>
    %dma_wait3A_38 = tpu.memref_slice %arg2[%mul3A_15] : memref<196608xf32, #tpu.memory_space<hbm>> -> memref<6144xf32, #tpu.memory_space<hbm>>
    tpu.wait_dma2 semaphore(%arg19 : memref<!tpu.dma_semaphore, #tpu.memory_space<semaphore_mem>>) src(%dma_wait3A_38 : memref<6144xf32, #tpu.memory_space<hbm>>) dst(%dma_wait3A_37 : memref<6144xf32, #tpu.memory_space<vmem>>)
    %get3A = arith.constant 0 : index
    %get3A_39 = tpu.vector_load %arg17[%get3A] {strides = array<i32>} : memref<384xf32, #tpu.memory_space<vmem>>, vector<16xf32>,
    %get3A_40 = vector.shape_cast %get3A_39 : vector<16xf32> to vector<16xf32>
    %get3A_41 = arith.constant 16 : index
    %get3A_42 = tpu.vector_load %arg17[%get3A_41] {strides = array<i32>} : memref<384xf32, #tpu.memory_space<vmem>>, vector<16xf32>,
    %get3A_43 = vector.shape_cast %get3A_42 : vector<16xf32> to vector<16xf32>
    %get3A_44 = arith.constant 32 : index
    %get3A_45 = tpu.vector_load %arg17[%get3A_44] {strides = array<i32>} : memref<384xf32, #tpu.memory_space<vmem>>, vector<16xf32>,
    %get3A_46 = vector.shape_cast %get3A_45 : vector<16xf32> to vector<16xf32>
    %get3A_47 = arith.constant 48 : index
    %get3A_48 = tpu.vector_load %arg17[%get3A_47] {strides = array<i32>} : memref<384xf32, #tpu.memory_space<vmem>>, vector<16xf32>,
    %get3A_49 = vector.shape_cast %get3A_48 : vector<16xf32> to vector<16xf32>
    %get3A_50 = arith.constant 64 : index
    %get3A_51 = tpu.vector_load %arg17[%get3A_50] {strides = array<i32>} : memref<384xf32, #tpu.memory_space<vmem>>, vector<16xf32>,
    %get3A_52 = vector.shape_cast %get3A_51 : vector<16xf32> to vector<16xf32>
    %get3A_53 = arith.constant 80 : index
    %get3A_54 = tpu.vector_load %arg17[%get3A_53] {strides = array<i32>} : memref<384xf32, #tpu.memory_space<vmem>>, vector<16xf32>,
    %get3A_55 = vector.shape_cast %get3A_54 : vector<16xf32> to vector<16xf32>
    %get3A_56 = arith.constant 96 : index
    %get3A_57 = tpu.vector_load %arg17[%get3A_56] {strides = array<i32>} : memref<384xf32, #tpu.memory_space<vmem>>, vector<16xf32>,
    %get3A_58 = vector.shape_cast %get3A_57 : vector<16xf32> to vector<16xf32>
    %get3A_59 = arith.constant 112 : index
    %get3A_60 = tpu.vector_load %arg17[%get3A_59] {strides = array<i32>} : memref<384xf32, #tpu.memory_space<vmem>>, vector<16xf32>,
    %get3A_61 = vector.shape_cast %get3A_60 : vector<16xf32> to vector<16xf32>
    %get3A_62 = arith.constant 128 : index
    %get3A_63 = tpu.vector_load %arg17[%get3A_62] {strides = array<i32>} : memref<384xf32, #tpu.memory_space<vmem>>, vector<16xf32>,
    %get3A_64 = vector.shape_cast %get3A_63 : vector<16xf32> to vector<16xf32>
    %get3A_65 = arith.constant 144 : index
    %get3A_66 = tpu.vector_load %arg17[%get3A_65] {strides = array<i32>} : memref<384xf32, #tpu.memory_space<vmem>>, vector<16xf32>,
    %get3A_67 = vector.shape_cast %get3A_66 : vector<16xf32> to vector<16xf32>
    %get3A_68 = arith.constant 160 : index
    %get3A_69 = tpu.vector_load %arg17[%get3A_68] {strides = array<i32>} : memref<384xf32, #tpu.memory_space<vmem>>, vector<16xf32>,
    %get3A_70 = vector.shape_cast %get3A_69 : vector<16xf32> to vector<16xf32>
    %get3A_71 = arith.constant 176 : index
    %get3A_72 = tpu.vector_load %arg17[%get3A_71] {strides = array<i32>} : memref<384xf32, #tpu.memory_space<vmem>>, vector<16xf32>,
    %get3A_73 = vector.shape_cast %get3A_72 : vector<16xf32> to vector<16xf32>
    %get3A_74 = arith.constant 192 : index
    %get3A_75 = tpu.vector_load %arg17[%get3A_74] {strides = array<i32>} : memref<384xf32, #tpu.memory_space<vmem>>, vector<16xf32>,
    %get3A_76 = vector.shape_cast %get3A_75 : vector<16xf32> to vector<16xf32>
    %get3A_77 = arith.constant 208 : index
    %get3A_78 = tpu.vector_load %arg17[%get3A_77] {strides = array<i32>} : memref<384xf32, #tpu.memory_space<vmem>>, vector<16xf32>,
    %get3A_79 = vector.shape_cast %get3A_78 : vector<16xf32> to vector<16xf32>
    %get3A_80 = arith.constant 224 : index
    %get3A_81 = tpu.vector_load %arg17[%get3A_80] {strides = array<i32>} : memref<384xf32, #tpu.memory_space<vmem>>, vector<16xf32>,
    %get3A_82 = vector.shape_cast %get3A_81 : vector<16xf32> to vector<16xf32>
    %get3A_83 = arith.constant 240 : index
    %get3A_84 = tpu.vector_load %arg17[%get3A_83] {strides = array<i32>} : memref<384xf32, #tpu.memory_space<vmem>>, vector<16xf32>,
    %get3A_85 = vector.shape_cast %get3A_84 : vector<16xf32> to vector<16xf32>
    %get3A_86 = arith.constant 256 : index
    %get3A_87 = tpu.vector_load %arg17[%get3A_86] {strides = array<i32>} : memref<384xf32, #tpu.memory_space<vmem>>, vector<16xf32>,
    %get3A_88 = vector.shape_cast %get3A_87 : vector<16xf32> to vector<16xf32>
    %get3A_89 = arith.constant 272 : index
    %get3A_90 = tpu.vector_load %arg17[%get3A_89] {strides = array<i32>} : memref<384xf32, #tpu.memory_space<vmem>>, vector<16xf32>,
    %get3A_91 = vector.shape_cast %get3A_90 : vector<16xf32> to vector<16xf32>
    %get3A_92 = arith.constant 288 : index
    %get3A_93 = tpu.vector_load %arg17[%get3A_92] {strides = array<i32>} : memref<384xf32, #tpu.memory_space<vmem>>, vector<16xf32>,
    %get3A_94 = vector.shape_cast %get3A_93 : vector<16xf32> to vector<16xf32>
    %get3A_95 = arith.constant 304 : index
    %get3A_96 = tpu.vector_load %arg17[%get3A_95] {strides = array<i32>} : memref<384xf32, #tpu.memory_space<vmem>>, vector<16xf32>,
    %get3A_97 = vector.shape_cast %get3A_96 : vector<16xf32> to vector<16xf32>
    %get3A_98 = arith.constant 320 : index
    %get3A_99 = tpu.vector_load %arg17[%get3A_98] {strides = array<i32>} : memref<384xf32, #tpu.memory_space<vmem>>, vector<16xf32>,
    %get3A_100 = vector.shape_cast %get3A_99 : vector<16xf32> to vector<16xf32>
    %get3A_101 = arith.constant 336 : index
    %get3A_102 = tpu.vector_load %arg17[%get3A_101] {strides = array<i32>} : memref<384xf32, #tpu.memory_space<vmem>>, vector<16xf32>,
    %get3A_103 = vector.shape_cast %get3A_102 : vector<16xf32> to vector<16xf32>
    %get3A_104 = arith.constant 352 : index
    %get3A_105 = tpu.vector_load %arg17[%get3A_104] {strides = array<i32>} : memref<384xf32, #tpu.memory_space<vmem>>, vector<16xf32>,
    %get3A_106 = vector.shape_cast %get3A_105 : vector<16xf32> to vector<16xf32>
    %get3A_107 = arith.constant 368 : index
    %get3A_108 = tpu.vector_load %arg17[%get3A_107] {strides = array<i32>} : memref<384xf32, #tpu.memory_space<vmem>>, vector<16xf32>,
    %get3A_109 = vector.shape_cast %get3A_108 : vector<16xf32> to vector<16xf32>
    %get3A_110 = arith.constant 0 : index
    %get3A_111 = tpu.vector_load %arg18[%get3A_110] {strides = array<i32>} : memref<128xf32, #tpu.memory_space<vmem>>, vector<16xf32>,
    %get3A_112 = vector.shape_cast %get3A_111 : vector<16xf32> to vector<16xf32>
    %get3A_113 = arith.constant 16 : index
    %get3A_114 = tpu.vector_load %arg18[%get3A_113] {strides = array<i32>} : memref<128xf32, #tpu.memory_space<vmem>>, vector<16xf32>,
    %get3A_115 = vector.shape_cast %get3A_114 : vector<16xf32> to vector<16xf32>
    %get3A_116 = arith.constant 32 : index
    %get3A_117 = tpu.vector_load %arg18[%get3A_116] {strides = array<i32>} : memref<128xf32, #tpu.memory_space<vmem>>, vector<16xf32>,
    %get3A_118 = vector.shape_cast %get3A_117 : vector<16xf32> to vector<16xf32>
    %get3A_119 = arith.constant 48 : index
    %get3A_120 = tpu.vector_load %arg18[%get3A_119] {strides = array<i32>} : memref<128xf32, #tpu.memory_space<vmem>>, vector<16xf32>,
    %get3A_121 = vector.shape_cast %get3A_120 : vector<16xf32> to vector<16xf32>
    %get3A_122 = arith.constant 64 : index
    %get3A_123 = tpu.vector_load %arg18[%get3A_122] {strides = array<i32>} : memref<128xf32, #tpu.memory_space<vmem>>, vector<16xf32>,
    %get3A_124 = vector.shape_cast %get3A_123 : vector<16xf32> to vector<16xf32>
    %get3A_125 = arith.constant 80 : index
    %get3A_126 = tpu.vector_load %arg18[%get3A_125] {strides = array<i32>} : memref<128xf32, #tpu.memory_space<vmem>>, vector<16xf32>,
    %get3A_127 = vector.shape_cast %get3A_126 : vector<16xf32> to vector<16xf32>
    %get3A_128 = arith.constant 96 : index
    %get3A_129 = tpu.vector_load %arg18[%get3A_128] {strides = array<i32>} : memref<128xf32, #tpu.memory_space<vmem>>, vector<16xf32>,
    %get3A_130 = vector.shape_cast %get3A_129 : vector<16xf32> to vector<16xf32>
    %get3A_131 = arith.constant 112 : index
    %get3A_132 = tpu.vector_load %arg18[%get3A_131] {strides = array<i32>} : memref<128xf32, #tpu.memory_space<vmem>>, vector<16xf32>,
    %get3A_133 = vector.shape_cast %get3A_132 : vector<16xf32> to vector<16xf32>
    %scan3A = arith.constant 0 : i32
    %scan3A_134 = arith.constant 0 : i32
    %scan3A_135 = arith.constant 8 : i32
    %scan3A_136 = arith.addi %scan3A_134, %scan3A_135 : i32
    %scan3A_137 = arith.constant 1 : i32
    scf.for %scan3A_151 = %scan3A_134 to %scan3A_136 step %scan3A_137  : i32 {
      %mul3A_152 = arith.constant 2 : i32
      %mul3A_153 = arith.muli %scan3A_151, %mul3A_152 : i32
      %add3A_154 = arith.constant 0 : i32
      %add3A_155 = arith.addi %mul3A_153, %add3A_154 : i32
      %mul3A_156 = arith.constant 128 : i32
      %mul3A_157 = arith.muli %add3A_155, %mul3A_156 : i32
      %add3A_158 = arith.addi %mul3A_2, %mul3A_157 : i32
      %mul3A_159 = arith.constant 3 : i32
      %mul3A_160 = arith.muli %mul3A_157, %mul3A_159 : i32
      %gt3A = arith.constant 0 : i32
      %gt3A_161 = arith.cmpi sgt, %scan3A_151, %gt3A : i32
      %convert_element_type3A = arith.extui %gt3A_161 : i1 to i32
      %cond3A = arith.constant 0 : i32
      %cond3A_162 = arith.cmpi ne, %convert_element_type3A, %cond3A : i32
      scf.if %cond3A_162 {
        %dma_wait3A_196 = arith.constant 0 : i32
        %dma_wait3A_197 = tpu.memref_slice %arg9[%add3A_158, %dma_wait3A_196] : memref<65536x128xf32, #tpu.memory_space<hbm>> -> memref<128x128xf32, #tpu.memory_space<hbm>>
        %dma_wait3A_198 = arith.constant 0 : i32
        %dma_wait3A_199 = tpu.memref_slice %arg9[%add3A_158, %dma_wait3A_198] : memref<65536x128xf32, #tpu.memory_space<hbm>> -> memref<128x128xf32, #tpu.memory_space<hbm>>
        tpu.wait_dma2 semaphore(%arg19 : memref<!tpu.dma_semaphore, #tpu.memory_space<semaphore_mem>>) src(%arg15 : memref<128x128xf32, #tpu.memory_space<vmem>>) dst(%dma_wait3A_199 : memref<128x128xf32, #tpu.memory_space<hbm>>)
      } else {
      }
      %parallel_loop3A = arith.constant 0 : i32
      %parallel_loop3A_163 = arith.constant 128 : i32
      %parallel_loop3A_164 = arith.constant 1 : i32
      scf.for %parallel_loop3A_196 = %parallel_loop3A to %parallel_loop3A_163 step %parallel_loop3A_164  : i32 {
        %parallel_loop3A_197 = arith.constant 3 : i32
        %parallel_loop3A_198 = arith.muli %parallel_loop3A_197, %parallel_loop3A_196 : i32
        %parallel_loop3A_199 = arith.addi %mul3A_160, %parallel_loop3A_198 : i32
        %parallel_loop3A_200 = arith.index_cast %parallel_loop3A_199 : i32 to index
        %parallel_loop3A_201 = tpu.vector_load %arg12[%parallel_loop3A_200] {strides = array<i32>} : memref<6160xf32, #tpu.memory_space<vmem>>, vector<16xf32>,
        %parallel_loop3A_202 = vector.shape_cast %parallel_loop3A_201 : vector<16xf32> to vector<16xf32>
        %parallel_loop3A_203 = arith.constant 0 : i32
        %parallel_loop3A_204 = vector.broadcast %parallel_loop3A_203 : i32 to vector<16x1xi32>
        %parallel_loop3A_205 = vector.shape_cast %parallel_loop3A_204 : vector<16x1xi32> to vector<16xi32>
        %parallel_loop3A_206 = tpu.dynamic_gather %parallel_loop3A_202[%parallel_loop3A_205] in [0] : vector<16xf32>, vector<16xi32> -> vector<16xf32>
        %parallel_loop3A_207 = arith.constant 1 : i32
        %parallel_loop3A_208 = vector.broadcast %parallel_loop3A_207 : i32 to vector<16x1xi32>
        %parallel_loop3A_209 = vector.shape_cast %parallel_loop3A_208 : vector<16x1xi32> to vector<16xi32>
        %parallel_loop3A_210 = tpu.dynamic_gather %parallel_loop3A_202[%parallel_loop3A_209] in [0] : vector<16xf32>, vector<16xi32> -> vector<16xf32>
        %parallel_loop3A_211 = arith.constant 2 : i32
        %parallel_loop3A_212 = vector.broadcast %parallel_loop3A_211 : i32 to vector<16x1xi32>
        %parallel_loop3A_213 = vector.shape_cast %parallel_loop3A_212 : vector<16x1xi32> to vector<16xi32>
        %parallel_loop3A_214 = tpu.dynamic_gather %parallel_loop3A_202[%parallel_loop3A_213] in [0] : vector<16xf32>, vector<16xi32> -> vector<16xf32>
        %parallel_loop3A_215 = arith.mulf %parallel_loop3A_206, %get3A_40 : vector<16xf32>
        %parallel_loop3A_216 = arith.addf %get3A_112, %parallel_loop3A_215 : vector<16xf32>
        %parallel_loop3A_217 = arith.mulf %parallel_loop3A_210, %get3A_64 : vector<16xf32>
        %parallel_loop3A_218 = arith.addf %parallel_loop3A_216, %parallel_loop3A_217 : vector<16xf32>
        %parallel_loop3A_219 = arith.mulf %parallel_loop3A_214, %get3A_88 : vector<16xf32>
        %parallel_loop3A_220 = arith.addf %parallel_loop3A_218, %parallel_loop3A_219 : vector<16xf32>
        %parallel_loop3A_221 = arith.constant 0.000000e+00 : f32
        %parallel_loop3A_222 = vector.broadcast %parallel_loop3A_221 : f32 to vector<16xf32>
        %parallel_loop3A_223 = arith.subf %parallel_loop3A_222, %parallel_loop3A_220 : vector<16xf32>
        %parallel_loop3A_224 = math.exp %parallel_loop3A_223 : vector<16xf32>
        %parallel_loop3A_225 = arith.constant 1.000000e+00 : f32
        %parallel_loop3A_226 = vector.broadcast %parallel_loop3A_225 : f32 to vector<16xf32>
        %parallel_loop3A_227 = arith.addf %parallel_loop3A_226, %parallel_loop3A_224 : vector<16xf32>
        %parallel_loop3A_228 = arith.divf %parallel_loop3A_220, %parallel_loop3A_227 : vector<16xf32>
        %parallel_loop3A_229 = arith.index_cast %parallel_loop3A_196 : i32 to index
        %parallel_loop3A_230 = arith.constant 0 : index
        %parallel_loop3A_231 = tpu.vector_load %arg15[%parallel_loop3A_229, %parallel_loop3A_230] {strides = array<i32>} : memref<128x128xf32, #tpu.memory_space<vmem>>, vector<1x16xf32>,
        %parallel_loop3A_232 = vector.shape_cast %parallel_loop3A_231 : vector<1x16xf32> to vector<16xf32>
        %parallel_loop3A_233 = vector.shape_cast %parallel_loop3A_228 : vector<16xf32> to vector<1x16xf32>
        tpu.vector_store %arg15[%parallel_loop3A_229, %parallel_loop3A_230], %parallel_loop3A_233 {strides = array<i32>} : memref<128x128xf32, #tpu.memory_space<vmem>>, vector<1x16xf32>,
        %parallel_loop3A_234 = arith.mulf %parallel_loop3A_206, %get3A_43 : vector<16xf32>
        %parallel_loop3A_235 = arith.addf %get3A_115, %parallel_loop3A_234 : vector<16xf32>
        %parallel_loop3A_236 = arith.mulf %parallel_loop3A_210, %get3A_67 : vector<16xf32>
        %parallel_loop3A_237 = arith.addf %parallel_loop3A_235, %parallel_loop3A_236 : vector<16xf32>
        %parallel_loop3A_238 = arith.mulf %parallel_loop3A_214, %get3A_91 : vector<16xf32>
        %parallel_loop3A_239 = arith.addf %parallel_loop3A_237, %parallel_loop3A_238 : vector<16xf32>
        %parallel_loop3A_240 = arith.constant 0.000000e+00 : f32
        %parallel_loop3A_241 = vector.broadcast %parallel_loop3A_240 : f32 to vector<16xf32>
        %parallel_loop3A_242 = arith.subf %parallel_loop3A_241, %parallel_loop3A_239 : vector<16xf32>
        %parallel_loop3A_243 = math.exp %parallel_loop3A_242 : vector<16xf32>
        %parallel_loop3A_244 = arith.constant 1.000000e+00 : f32
        %parallel_loop3A_245 = vector.broadcast %parallel_loop3A_244 : f32 to vector<16xf32>
        %parallel_loop3A_246 = arith.addf %parallel_loop3A_245, %parallel_loop3A_243 : vector<16xf32>
        %parallel_loop3A_247 = arith.divf %parallel_loop3A_239, %parallel_loop3A_246 : vector<16xf32>
        %parallel_loop3A_248 = arith.index_cast %parallel_loop3A_196 : i32 to index
        %parallel_loop3A_249 = arith.constant 16 : index
        %parallel_loop3A_250 = tpu.vector_load %arg15[%parallel_loop3A_248, %parallel_loop3A_249] {strides = array<i32>} : memref<128x128xf32, #tpu.memory_space<vmem>>, vector<1x16xf32>,
        %parallel_loop3A_251 = vector.shape_cast %parallel_loop3A_250 : vector<1x16xf32> to vector<16xf32>
        %parallel_loop3A_252 = vector.shape_cast %parallel_loop3A_247 : vector<16xf32> to vector<1x16xf32>
        tpu.vector_store %arg15[%parallel_loop3A_248, %parallel_loop3A_249], %parallel_loop3A_252 {strides = array<i32>} : memref<128x128xf32, #tpu.memory_space<vmem>>, vector<1x16xf32>,
        %parallel_loop3A_253 = arith.mulf %parallel_loop3A_206, %get3A_46 : vector<16xf32>
        %parallel_loop3A_254 = arith.addf %get3A_118, %parallel_loop3A_253 : vector<16xf32>
        %parallel_loop3A_255 = arith.mulf %parallel_loop3A_210, %get3A_70 : vector<16xf32>
        %parallel_loop3A_256 = arith.addf %parallel_loop3A_254, %parallel_loop3A_255 : vector<16xf32>
        %parallel_loop3A_257 = arith.mulf %parallel_loop3A_214, %get3A_94 : vector<16xf32>
        %parallel_loop3A_258 = arith.addf %parallel_loop3A_256, %parallel_loop3A_257 : vector<16xf32>
        %parallel_loop3A_259 = arith.constant 0.000000e+00 : f32
        %parallel_loop3A_260 = vector.broadcast %parallel_loop3A_259 : f32 to vector<16xf32>
        %parallel_loop3A_261 = arith.subf %parallel_loop3A_260, %parallel_loop3A_258 : vector<16xf32>
        %parallel_loop3A_262 = math.exp %parallel_loop3A_261 : vector<16xf32>
        %parallel_loop3A_263 = arith.constant 1.000000e+00 : f32
        %parallel_loop3A_264 = vector.broadcast %parallel_loop3A_263 : f32 to vector<16xf32>
        %parallel_loop3A_265 = arith.addf %parallel_loop3A_264, %parallel_loop3A_262 : vector<16xf32>
        %parallel_loop3A_266 = arith.divf %parallel_loop3A_258, %parallel_loop3A_265 : vector<16xf32>
        %parallel_loop3A_267 = arith.index_cast %parallel_loop3A_196 : i32 to index
        %parallel_loop3A_268 = arith.constant 32 : index
        %parallel_loop3A_269 = tpu.vector_load %arg15[%parallel_loop3A_267, %parallel_loop3A_268] {strides = array<i32>} : memref<128x128xf32, #tpu.memory_space<vmem>>, vector<1x16xf32>,
        %parallel_loop3A_270 = vector.shape_cast %parallel_loop3A_269 : vector<1x16xf32> to vector<16xf32>
        %parallel_loop3A_271 = vector.shape_cast %parallel_loop3A_266 : vector<16xf32> to vector<1x16xf32>
        tpu.vector_store %arg15[%parallel_loop3A_267, %parallel_loop3A_268], %parallel_loop3A_271 {strides = array<i32>} : memref<128x128xf32, #tpu.memory_space<vmem>>, vector<1x16xf32>,
        %parallel_loop3A_272 = arith.mulf %parallel_loop3A_206, %get3A_49 : vector<16xf32>
        %parallel_loop3A_273 = arith.addf %get3A_121, %parallel_loop3A_272 : vector<16xf32>
        %parallel_loop3A_274 = arith.mulf %parallel_loop3A_210, %get3A_73 : vector<16xf32>
        %parallel_loop3A_275 = arith.addf %parallel_loop3A_273, %parallel_loop3A_274 : vector<16xf32>
        %parallel_loop3A_276 = arith.mulf %parallel_loop3A_214, %get3A_97 : vector<16xf32>
        %parallel_loop3A_277 = arith.addf %parallel_loop3A_275, %parallel_loop3A_276 : vector<16xf32>
        %parallel_loop3A_278 = arith.constant 0.000000e+00 : f32
        %parallel_loop3A_279 = vector.broadcast %parallel_loop3A_278 : f32 to vector<16xf32>
        %parallel_loop3A_280 = arith.subf %parallel_loop3A_279, %parallel_loop3A_277 : vector<16xf32>
        %parallel_loop3A_281 = math.exp %parallel_loop3A_280 : vector<16xf32>
        %parallel_loop3A_282 = arith.constant 1.000000e+00 : f32
        %parallel_loop3A_283 = vector.broadcast %parallel_loop3A_282 : f32 to vector<16xf32>
        %parallel_loop3A_284 = arith.addf %parallel_loop3A_283, %parallel_loop3A_281 : vector<16xf32>
        %parallel_loop3A_285 = arith.divf %parallel_loop3A_277, %parallel_loop3A_284 : vector<16xf32>
        %parallel_loop3A_286 = arith.index_cast %parallel_loop3A_196 : i32 to index
        %parallel_loop3A_287 = arith.constant 48 : index
        %parallel_loop3A_288 = tpu.vector_load %arg15[%parallel_loop3A_286, %parallel_loop3A_287] {strides = array<i32>} : memref<128x128xf32, #tpu.memory_space<vmem>>, vector<1x16xf32>,
        %parallel_loop3A_289 = vector.shape_cast %parallel_loop3A_288 : vector<1x16xf32> to vector<16xf32>
        %parallel_loop3A_290 = vector.shape_cast %parallel_loop3A_285 : vector<16xf32> to vector<1x16xf32>
        tpu.vector_store %arg15[%parallel_loop3A_286, %parallel_loop3A_287], %parallel_loop3A_290 {strides = array<i32>} : memref<128x128xf32, #tpu.memory_space<vmem>>, vector<1x16xf32>,
        %parallel_loop3A_291 = arith.mulf %parallel_loop3A_206, %get3A_52 : vector<16xf32>
        %parallel_loop3A_292 = arith.addf %get3A_124, %parallel_loop3A_291 : vector<16xf32>
        %parallel_loop3A_293 = arith.mulf %parallel_loop3A_210, %get3A_76 : vector<16xf32>
        %parallel_loop3A_294 = arith.addf %parallel_loop3A_292, %parallel_loop3A_293 : vector<16xf32>
        %parallel_loop3A_295 = arith.mulf %parallel_loop3A_214, %get3A_100 : vector<16xf32>
        %parallel_loop3A_296 = arith.addf %parallel_loop3A_294, %parallel_loop3A_295 : vector<16xf32>
        %parallel_loop3A_297 = arith.constant 0.000000e+00 : f32
        %parallel_loop3A_298 = vector.broadcast %parallel_loop3A_297 : f32 to vector<16xf32>
        %parallel_loop3A_299 = arith.subf %parallel_loop3A_298, %parallel_loop3A_296 : vector<16xf32>
        %parallel_loop3A_300 = math.exp %parallel_loop3A_299 : vector<16xf32>
        %parallel_loop3A_301 = arith.constant 1.000000e+00 : f32
        %parallel_loop3A_302 = vector.broadcast %parallel_loop3A_301 : f32 to vector<16xf32>
        %parallel_loop3A_303 = arith.addf %parallel_loop3A_302, %parallel_loop3A_300 : vector<16xf32>
        %parallel_loop3A_304 = arith.divf %parallel_loop3A_296, %parallel_loop3A_303 : vector<16xf32>
        %parallel_loop3A_305 = arith.index_cast %parallel_loop3A_196 : i32 to index
        %parallel_loop3A_306 = arith.constant 64 : index
        %parallel_loop3A_307 = tpu.vector_load %arg15[%parallel_loop3A_305, %parallel_loop3A_306] {strides = array<i32>} : memref<128x128xf32, #tpu.memory_space<vmem>>, vector<1x16xf32>,
        %parallel_loop3A_308 = vector.shape_cast %parallel_loop3A_307 : vector<1x16xf32> to vector<16xf32>
        %parallel_loop3A_309 = vector.shape_cast %parallel_loop3A_304 : vector<16xf32> to vector<1x16xf32>
        tpu.vector_store %arg15[%parallel_loop3A_305, %parallel_loop3A_306], %parallel_loop3A_309 {strides = array<i32>} : memref<128x128xf32, #tpu.memory_space<vmem>>, vector<1x16xf32>,
        %parallel_loop3A_310 = arith.mulf %parallel_loop3A_206, %get3A_55 : vector<16xf32>
        %parallel_loop3A_311 = arith.addf %get3A_127, %parallel_loop3A_310 : vector<16xf32>
        %parallel_loop3A_312 = arith.mulf %parallel_loop3A_210, %get3A_79 : vector<16xf32>
        %parallel_loop3A_313 = arith.addf %parallel_loop3A_311, %parallel_loop3A_312 : vector<16xf32>
        %parallel_loop3A_314 = arith.mulf %parallel_loop3A_214, %get3A_103 : vector<16xf32>
        %parallel_loop3A_315 = arith.addf %parallel_loop3A_313, %parallel_loop3A_314 : vector<16xf32>
        %parallel_loop3A_316 = arith.constant 0.000000e+00 : f32
        %parallel_loop3A_317 = vector.broadcast %parallel_loop3A_316 : f32 to vector<16xf32>
        %parallel_loop3A_318 = arith.subf %parallel_loop3A_317, %parallel_loop3A_315 : vector<16xf32>
        %parallel_loop3A_319 = math.exp %parallel_loop3A_318 : vector<16xf32>
        %parallel_loop3A_320 = arith.constant 1.000000e+00 : f32
        %parallel_loop3A_321 = vector.broadcast %parallel_loop3A_320 : f32 to vector<16xf32>
        %parallel_loop3A_322 = arith.addf %parallel_loop3A_321, %parallel_loop3A_319 : vector<16xf32>
        %parallel_loop3A_323 = arith.divf %parallel_loop3A_315, %parallel_loop3A_322 : vector<16xf32>
        %parallel_loop3A_324 = arith.index_cast %parallel_loop3A_196 : i32 to index
        %parallel_loop3A_325 = arith.constant 80 : index
        %parallel_loop3A_326 = tpu.vector_load %arg15[%parallel_loop3A_324, %parallel_loop3A_325] {strides = array<i32>} : memref<128x128xf32, #tpu.memory_space<vmem>>, vector<1x16xf32>,
        %parallel_loop3A_327 = vector.shape_cast %parallel_loop3A_326 : vector<1x16xf32> to vector<16xf32>
        %parallel_loop3A_328 = vector.shape_cast %parallel_loop3A_323 : vector<16xf32> to vector<1x16xf32>
        tpu.vector_store %arg15[%parallel_loop3A_324, %parallel_loop3A_325], %parallel_loop3A_328 {strides = array<i32>} : memref<128x128xf32, #tpu.memory_space<vmem>>, vector<1x16xf32>,
        %parallel_loop3A_329 = arith.mulf %parallel_loop3A_206, %get3A_58 : vector<16xf32>
        %parallel_loop3A_330 = arith.addf %get3A_130, %parallel_loop3A_329 : vector<16xf32>
        %parallel_loop3A_331 = arith.mulf %parallel_loop3A_210, %get3A_82 : vector<16xf32>
        %parallel_loop3A_332 = arith.addf %parallel_loop3A_330, %parallel_loop3A_331 : vector<16xf32>
        %parallel_loop3A_333 = arith.mulf %parallel_loop3A_214, %get3A_106 : vector<16xf32>
        %parallel_loop3A_334 = arith.addf %parallel_loop3A_332, %parallel_loop3A_333 : vector<16xf32>
        %parallel_loop3A_335 = arith.constant 0.000000e+00 : f32
        %parallel_loop3A_336 = vector.broadcast %parallel_loop3A_335 : f32 to vector<16xf32>
        %parallel_loop3A_337 = arith.subf %parallel_loop3A_336, %parallel_loop3A_334 : vector<16xf32>
        %parallel_loop3A_338 = math.exp %parallel_loop3A_337 : vector<16xf32>
        %parallel_loop3A_339 = arith.constant 1.000000e+00 : f32
        %parallel_loop3A_340 = vector.broadcast %parallel_loop3A_339 : f32 to vector<16xf32>
        %parallel_loop3A_341 = arith.addf %parallel_loop3A_340, %parallel_loop3A_338 : vector<16xf32>
        %parallel_loop3A_342 = arith.divf %parallel_loop3A_334, %parallel_loop3A_341 : vector<16xf32>
        %parallel_loop3A_343 = arith.index_cast %parallel_loop3A_196 : i32 to index
        %parallel_loop3A_344 = arith.constant 96 : index
        %parallel_loop3A_345 = tpu.vector_load %arg15[%parallel_loop3A_343, %parallel_loop3A_344] {strides = array<i32>} : memref<128x128xf32, #tpu.memory_space<vmem>>, vector<1x16xf32>,
        %parallel_loop3A_346 = vector.shape_cast %parallel_loop3A_345 : vector<1x16xf32> to vector<16xf32>
        %parallel_loop3A_347 = vector.shape_cast %parallel_loop3A_342 : vector<16xf32> to vector<1x16xf32>
        tpu.vector_store %arg15[%parallel_loop3A_343, %parallel_loop3A_344], %parallel_loop3A_347 {strides = array<i32>} : memref<128x128xf32, #tpu.memory_space<vmem>>, vector<1x16xf32>,
        %parallel_loop3A_348 = arith.mulf %parallel_loop3A_206, %get3A_61 : vector<16xf32>
        %parallel_loop3A_349 = arith.addf %get3A_133, %parallel_loop3A_348 : vector<16xf32>
        %parallel_loop3A_350 = arith.mulf %parallel_loop3A_210, %get3A_85 : vector<16xf32>
        %parallel_loop3A_351 = arith.addf %parallel_loop3A_349, %parallel_loop3A_350 : vector<16xf32>
        %parallel_loop3A_352 = arith.mulf %parallel_loop3A_214, %get3A_109 : vector<16xf32>
        %parallel_loop3A_353 = arith.addf %parallel_loop3A_351, %parallel_loop3A_352 : vector<16xf32>
        %parallel_loop3A_354 = arith.constant 0.000000e+00 : f32
        %parallel_loop3A_355 = vector.broadcast %parallel_loop3A_354 : f32 to vector<16xf32>
        %parallel_loop3A_356 = arith.subf %parallel_loop3A_355, %parallel_loop3A_353 : vector<16xf32>
        %parallel_loop3A_357 = math.exp %parallel_loop3A_356 : vector<16xf32>
        %parallel_loop3A_358 = arith.constant 1.000000e+00 : f32
        %parallel_loop3A_359 = vector.broadcast %parallel_loop3A_358 : f32 to vector<16xf32>
        %parallel_loop3A_360 = arith.addf %parallel_loop3A_359, %parallel_loop3A_357 : vector<16xf32>
        %parallel_loop3A_361 = arith.divf %parallel_loop3A_353, %parallel_loop3A_360 : vector<16xf32>
        %parallel_loop3A_362 = arith.index_cast %parallel_loop3A_196 : i32 to index
        %parallel_loop3A_363 = arith.constant 112 : index
        %parallel_loop3A_364 = tpu.vector_load %arg15[%parallel_loop3A_362, %parallel_loop3A_363] {strides = array<i32>} : memref<128x128xf32, #tpu.memory_space<vmem>>, vector<1x16xf32>,
        %parallel_loop3A_365 = vector.shape_cast %parallel_loop3A_364 : vector<1x16xf32> to vector<16xf32>
        %parallel_loop3A_366 = vector.shape_cast %parallel_loop3A_361 : vector<16xf32> to vector<1x16xf32>
        tpu.vector_store %arg15[%parallel_loop3A_362, %parallel_loop3A_363], %parallel_loop3A_366 {strides = array<i32>} : memref<128x128xf32, #tpu.memory_space<vmem>>, vector<1x16xf32>,
      } {sc.loop_unroll_factor = 2 : i64, sc.parallel_access}
      %parallel_loop3A_165 = arith.constant 0 : i32
      %parallel_loop3A_166 = arith.constant 128 : i32
      %parallel_loop3A_167 = arith.constant 1 : i32
      scf.for %parallel_loop3A_196 = %parallel_loop3A_165 to %parallel_loop3A_166 step %parallel_loop3A_167  : i32 {
        %parallel_loop3A_197 = arith.addi %mul3A_157, %parallel_loop3A_196 : i32
        %parallel_loop3A_198 = arith.index_cast %parallel_loop3A_197 : i32 to index
        %parallel_loop3A_199 = tpu.vector_load %arg10[%parallel_loop3A_198] {strides = array<i32>} : memref<2064xi32, #tpu.memory_space<vmem>>, vector<16xi32>,
        %parallel_loop3A_200 = vector.shape_cast %parallel_loop3A_199 : vector<16xi32> to vector<16xi32>
        %parallel_loop3A_201 = arith.addi %mul3A_157, %parallel_loop3A_196 : i32
        %parallel_loop3A_202 = arith.index_cast %parallel_loop3A_201 : i32 to index
        %parallel_loop3A_203 = tpu.vector_load %arg11[%parallel_loop3A_202] {strides = array<i32>} : memref<2064xi32, #tpu.memory_space<vmem>>, vector<16xi32>,
        %parallel_loop3A_204 = vector.shape_cast %parallel_loop3A_203 : vector<16xi32> to vector<16xi32>
        %parallel_loop3A_205 = vector.extract_strided_slice %parallel_loop3A_200 {offsets = [0], sizes = [1], strides = [1]} : vector<16xi32> to vector<1xi32>
        %parallel_loop3A_206 = vector.extract %parallel_loop3A_205[0] : i32 from vector<1xi32>
        %parallel_loop3A_207 = arith.constant 128 : i32
        %parallel_loop3A_208 = arith.muli %parallel_loop3A_206, %parallel_loop3A_207 : i32
        %parallel_loop3A_209 = vector.extract_strided_slice %parallel_loop3A_204 {offsets = [0], sizes = [1], strides = [1]} : vector<16xi32> to vector<1xi32>
        %parallel_loop3A_210 = vector.extract %parallel_loop3A_209[0] : i32 from vector<1xi32>
        %parallel_loop3A_211 = arith.constant 128 : i32
        %parallel_loop3A_212 = arith.muli %parallel_loop3A_210, %parallel_loop3A_211 : i32
        %parallel_loop3A_213 = arith.constant 0 : i32
        %parallel_loop3A_214 = arith.addi %parallel_loop3A_208, %parallel_loop3A_213 : i32
        %parallel_loop3A_215 = arith.index_cast %parallel_loop3A_214 : i32 to index
        %parallel_loop3A_216 = tpu.vector_load %arg13[%parallel_loop3A_215] {strides = array<i32>} : memref<16384xf32, #tpu.memory_space<vmem>>, vector<16xf32>,
        %parallel_loop3A_217 = vector.shape_cast %parallel_loop3A_216 : vector<16xf32> to vector<16xf32>
        %parallel_loop3A_218 = arith.constant 16 : i32
        %parallel_loop3A_219 = arith.addi %parallel_loop3A_208, %parallel_loop3A_218 : i32
        %parallel_loop3A_220 = arith.index_cast %parallel_loop3A_219 : i32 to index
        %parallel_loop3A_221 = tpu.vector_load %arg13[%parallel_loop3A_220] {strides = array<i32>} : memref<16384xf32, #tpu.memory_space<vmem>>, vector<16xf32>,
        %parallel_loop3A_222 = vector.shape_cast %parallel_loop3A_221 : vector<16xf32> to vector<16xf32>
        %parallel_loop3A_223 = arith.constant 32 : i32
        %parallel_loop3A_224 = arith.addi %parallel_loop3A_208, %parallel_loop3A_223 : i32
        %parallel_loop3A_225 = arith.index_cast %parallel_loop3A_224 : i32 to index
        %parallel_loop3A_226 = tpu.vector_load %arg13[%parallel_loop3A_225] {strides = array<i32>} : memref<16384xf32, #tpu.memory_space<vmem>>, vector<16xf32>,
        %parallel_loop3A_227 = vector.shape_cast %parallel_loop3A_226 : vector<16xf32> to vector<16xf32>
        %parallel_loop3A_228 = arith.constant 48 : i32
        %parallel_loop3A_229 = arith.addi %parallel_loop3A_208, %parallel_loop3A_228 : i32
        %parallel_loop3A_230 = arith.index_cast %parallel_loop3A_229 : i32 to index
        %parallel_loop3A_231 = tpu.vector_load %arg13[%parallel_loop3A_230] {strides = array<i32>} : memref<16384xf32, #tpu.memory_space<vmem>>, vector<16xf32>,
        %parallel_loop3A_232 = vector.shape_cast %parallel_loop3A_231 : vector<16xf32> to vector<16xf32>
        %parallel_loop3A_233 = arith.constant 64 : i32
        %parallel_loop3A_234 = arith.addi %parallel_loop3A_208, %parallel_loop3A_233 : i32
        %parallel_loop3A_235 = arith.index_cast %parallel_loop3A_234 : i32 to index
        %parallel_loop3A_236 = tpu.vector_load %arg13[%parallel_loop3A_235] {strides = array<i32>} : memref<16384xf32, #tpu.memory_space<vmem>>, vector<16xf32>,
        %parallel_loop3A_237 = vector.shape_cast %parallel_loop3A_236 : vector<16xf32> to vector<16xf32>
        %parallel_loop3A_238 = arith.constant 80 : i32
        %parallel_loop3A_239 = arith.addi %parallel_loop3A_208, %parallel_loop3A_238 : i32
        %parallel_loop3A_240 = arith.index_cast %parallel_loop3A_239 : i32 to index
        %parallel_loop3A_241 = tpu.vector_load %arg13[%parallel_loop3A_240] {strides = array<i32>} : memref<16384xf32, #tpu.memory_space<vmem>>, vector<16xf32>,
        %parallel_loop3A_242 = vector.shape_cast %parallel_loop3A_241 : vector<16xf32> to vector<16xf32>
        %parallel_loop3A_243 = arith.constant 96 : i32
        %parallel_loop3A_244 = arith.addi %parallel_loop3A_208, %parallel_loop3A_243 : i32
        %parallel_loop3A_245 = arith.index_cast %parallel_loop3A_244 : i32 to index
        %parallel_loop3A_246 = tpu.vector_load %arg13[%parallel_loop3A_245] {strides = array<i32>} : memref<16384xf32, #tpu.memory_space<vmem>>, vector<16xf32>,
        %parallel_loop3A_247 = vector.shape_cast %parallel_loop3A_246 : vector<16xf32> to vector<16xf32>
        %parallel_loop3A_248 = arith.constant 112 : i32
        %parallel_loop3A_249 = arith.addi %parallel_loop3A_208, %parallel_loop3A_248 : i32
        %parallel_loop3A_250 = arith.index_cast %parallel_loop3A_249 : i32 to index
        %parallel_loop3A_251 = tpu.vector_load %arg13[%parallel_loop3A_250] {strides = array<i32>} : memref<16384xf32, #tpu.memory_space<vmem>>, vector<16xf32>,
        %parallel_loop3A_252 = vector.shape_cast %parallel_loop3A_251 : vector<16xf32> to vector<16xf32>
        %parallel_loop3A_253 = arith.constant 0 : i32
        %parallel_loop3A_254 = arith.addi %parallel_loop3A_212, %parallel_loop3A_253 : i32
        %parallel_loop3A_255 = arith.index_cast %parallel_loop3A_254 : i32 to index
        %parallel_loop3A_256 = tpu.vector_load %arg14[%parallel_loop3A_255] {strides = array<i32>} : memref<65536xf32, #tpu.memory_space<vmem>>, vector<16xf32>,
        %parallel_loop3A_257 = vector.shape_cast %parallel_loop3A_256 : vector<16xf32> to vector<16xf32>
        %parallel_loop3A_258 = arith.constant 16 : i32
        %parallel_loop3A_259 = arith.addi %parallel_loop3A_212, %parallel_loop3A_258 : i32
        %parallel_loop3A_260 = arith.index_cast %parallel_loop3A_259 : i32 to index
        %parallel_loop3A_261 = tpu.vector_load %arg14[%parallel_loop3A_260] {strides = array<i32>} : memref<65536xf32, #tpu.memory_space<vmem>>, vector<16xf32>,
        %parallel_loop3A_262 = vector.shape_cast %parallel_loop3A_261 : vector<16xf32> to vector<16xf32>
        %parallel_loop3A_263 = arith.constant 32 : i32
        %parallel_loop3A_264 = arith.addi %parallel_loop3A_212, %parallel_loop3A_263 : i32
        %parallel_loop3A_265 = arith.index_cast %parallel_loop3A_264 : i32 to index
        %parallel_loop3A_266 = tpu.vector_load %arg14[%parallel_loop3A_265] {strides = array<i32>} : memref<65536xf32, #tpu.memory_space<vmem>>, vector<16xf32>,
        %parallel_loop3A_267 = vector.shape_cast %parallel_loop3A_266 : vector<16xf32> to vector<16xf32>
        %parallel_loop3A_268 = arith.constant 48 : i32
        %parallel_loop3A_269 = arith.addi %parallel_loop3A_212, %parallel_loop3A_268 : i32
        %parallel_loop3A_270 = arith.index_cast %parallel_loop3A_269 : i32 to index
        %parallel_loop3A_271 = tpu.vector_load %arg14[%parallel_loop3A_270] {strides = array<i32>} : memref<65536xf32, #tpu.memory_space<vmem>>, vector<16xf32>,
        %parallel_loop3A_272 = vector.shape_cast %parallel_loop3A_271 : vector<16xf32> to vector<16xf32>
        %parallel_loop3A_273 = arith.constant 64 : i32
        %parallel_loop3A_274 = arith.addi %parallel_loop3A_212, %parallel_loop3A_273 : i32
        %parallel_loop3A_275 = arith.index_cast %parallel_loop3A_274 : i32 to index
        %parallel_loop3A_276 = tpu.vector_load %arg14[%parallel_loop3A_275] {strides = array<i32>} : memref<65536xf32, #tpu.memory_space<vmem>>, vector<16xf32>,
        %parallel_loop3A_277 = vector.shape_cast %parallel_loop3A_276 : vector<16xf32> to vector<16xf32>
        %parallel_loop3A_278 = arith.constant 80 : i32
        %parallel_loop3A_279 = arith.addi %parallel_loop3A_212, %parallel_loop3A_278 : i32
        %parallel_loop3A_280 = arith.index_cast %parallel_loop3A_279 : i32 to index
        %parallel_loop3A_281 = tpu.vector_load %arg14[%parallel_loop3A_280] {strides = array<i32>} : memref<65536xf32, #tpu.memory_space<vmem>>, vector<16xf32>,
        %parallel_loop3A_282 = vector.shape_cast %parallel_loop3A_281 : vector<16xf32> to vector<16xf32>
        %parallel_loop3A_283 = arith.constant 96 : i32
        %parallel_loop3A_284 = arith.addi %parallel_loop3A_212, %parallel_loop3A_283 : i32
        %parallel_loop3A_285 = arith.index_cast %parallel_loop3A_284 : i32 to index
        %parallel_loop3A_286 = tpu.vector_load %arg14[%parallel_loop3A_285] {strides = array<i32>} : memref<65536xf32, #tpu.memory_space<vmem>>, vector<16xf32>,
        %parallel_loop3A_287 = vector.shape_cast %parallel_loop3A_286 : vector<16xf32> to vector<16xf32>
        %parallel_loop3A_288 = arith.constant 112 : i32
        %parallel_loop3A_289 = arith.addi %parallel_loop3A_212, %parallel_loop3A_288 : i32
        %parallel_loop3A_290 = arith.index_cast %parallel_loop3A_289 : i32 to index
        %parallel_loop3A_291 = tpu.vector_load %arg14[%parallel_loop3A_290] {strides = array<i32>} : memref<65536xf32, #tpu.memory_space<vmem>>, vector<16xf32>,
        %parallel_loop3A_292 = vector.shape_cast %parallel_loop3A_291 : vector<16xf32> to vector<16xf32>
        %parallel_loop3A_293 = arith.addf %parallel_loop3A_217, %parallel_loop3A_257 : vector<16xf32>
        %parallel_loop3A_294 = arith.index_cast %parallel_loop3A_196 : i32 to index
        %parallel_loop3A_295 = arith.constant 0 : index
        %parallel_loop3A_296 = tpu.vector_load %arg15[%parallel_loop3A_294, %parallel_loop3A_295] {strides = array<i32>} : memref<128x128xf32, #tpu.memory_space<vmem>>, vector<1x16xf32>,
        %parallel_loop3A_297 = vector.shape_cast %parallel_loop3A_296 : vector<1x16xf32> to vector<16xf32>
        %parallel_loop3A_298 = vector.shape_cast %parallel_loop3A_293 : vector<16xf32> to vector<1x16xf32>
        tpu.vector_store %arg15[%parallel_loop3A_294, %parallel_loop3A_295], %parallel_loop3A_298 {add = true, strides = array<i32>} : memref<128x128xf32, #tpu.memory_space<vmem>>, vector<1x16xf32>,
        %parallel_loop3A_299 = arith.addf %parallel_loop3A_222, %parallel_loop3A_262 : vector<16xf32>
        %parallel_loop3A_300 = arith.index_cast %parallel_loop3A_196 : i32 to index
        %parallel_loop3A_301 = arith.constant 16 : index
        %parallel_loop3A_302 = tpu.vector_load %arg15[%parallel_loop3A_300, %parallel_loop3A_301] {strides = array<i32>} : memref<128x128xf32, #tpu.memory_space<vmem>>, vector<1x16xf32>,
        %parallel_loop3A_303 = vector.shape_cast %parallel_loop3A_302 : vector<1x16xf32> to vector<16xf32>
        %parallel_loop3A_304 = vector.shape_cast %parallel_loop3A_299 : vector<16xf32> to vector<1x16xf32>
        tpu.vector_store %arg15[%parallel_loop3A_300, %parallel_loop3A_301], %parallel_loop3A_304 {add = true, strides = array<i32>} : memref<128x128xf32, #tpu.memory_space<vmem>>, vector<1x16xf32>,
        %parallel_loop3A_305 = arith.addf %parallel_loop3A_227, %parallel_loop3A_267 : vector<16xf32>
        %parallel_loop3A_306 = arith.index_cast %parallel_loop3A_196 : i32 to index
        %parallel_loop3A_307 = arith.constant 32 : index
        %parallel_loop3A_308 = tpu.vector_load %arg15[%parallel_loop3A_306, %parallel_loop3A_307] {strides = array<i32>} : memref<128x128xf32, #tpu.memory_space<vmem>>, vector<1x16xf32>,
        %parallel_loop3A_309 = vector.shape_cast %parallel_loop3A_308 : vector<1x16xf32> to vector<16xf32>
        %parallel_loop3A_310 = vector.shape_cast %parallel_loop3A_305 : vector<16xf32> to vector<1x16xf32>
        tpu.vector_store %arg15[%parallel_loop3A_306, %parallel_loop3A_307], %parallel_loop3A_310 {add = true, strides = array<i32>} : memref<128x128xf32, #tpu.memory_space<vmem>>, vector<1x16xf32>,
        %parallel_loop3A_311 = arith.addf %parallel_loop3A_232, %parallel_loop3A_272 : vector<16xf32>
        %parallel_loop3A_312 = arith.index_cast %parallel_loop3A_196 : i32 to index
        %parallel_loop3A_313 = arith.constant 48 : index
        %parallel_loop3A_314 = tpu.vector_load %arg15[%parallel_loop3A_312, %parallel_loop3A_313] {strides = array<i32>} : memref<128x128xf32, #tpu.memory_space<vmem>>, vector<1x16xf32>,
        %parallel_loop3A_315 = vector.shape_cast %parallel_loop3A_314 : vector<1x16xf32> to vector<16xf32>
        %parallel_loop3A_316 = vector.shape_cast %parallel_loop3A_311 : vector<16xf32> to vector<1x16xf32>
        tpu.vector_store %arg15[%parallel_loop3A_312, %parallel_loop3A_313], %parallel_loop3A_316 {add = true, strides = array<i32>} : memref<128x128xf32, #tpu.memory_space<vmem>>, vector<1x16xf32>,
        %parallel_loop3A_317 = arith.addf %parallel_loop3A_237, %parallel_loop3A_277 : vector<16xf32>
        %parallel_loop3A_318 = arith.index_cast %parallel_loop3A_196 : i32 to index
        %parallel_loop3A_319 = arith.constant 64 : index
        %parallel_loop3A_320 = tpu.vector_load %arg15[%parallel_loop3A_318, %parallel_loop3A_319] {strides = array<i32>} : memref<128x128xf32, #tpu.memory_space<vmem>>, vector<1x16xf32>,
        %parallel_loop3A_321 = vector.shape_cast %parallel_loop3A_320 : vector<1x16xf32> to vector<16xf32>
        %parallel_loop3A_322 = vector.shape_cast %parallel_loop3A_317 : vector<16xf32> to vector<1x16xf32>
        tpu.vector_store %arg15[%parallel_loop3A_318, %parallel_loop3A_319], %parallel_loop3A_322 {add = true, strides = array<i32>} : memref<128x128xf32, #tpu.memory_space<vmem>>, vector<1x16xf32>,
        %parallel_loop3A_323 = arith.addf %parallel_loop3A_242, %parallel_loop3A_282 : vector<16xf32>
        %parallel_loop3A_324 = arith.index_cast %parallel_loop3A_196 : i32 to index
        %parallel_loop3A_325 = arith.constant 80 : index
        %parallel_loop3A_326 = tpu.vector_load %arg15[%parallel_loop3A_324, %parallel_loop3A_325] {strides = array<i32>} : memref<128x128xf32, #tpu.memory_space<vmem>>, vector<1x16xf32>,
        %parallel_loop3A_327 = vector.shape_cast %parallel_loop3A_326 : vector<1x16xf32> to vector<16xf32>
        %parallel_loop3A_328 = vector.shape_cast %parallel_loop3A_323 : vector<16xf32> to vector<1x16xf32>
        tpu.vector_store %arg15[%parallel_loop3A_324, %parallel_loop3A_325], %parallel_loop3A_328 {add = true, strides = array<i32>} : memref<128x128xf32, #tpu.memory_space<vmem>>, vector<1x16xf32>,
        %parallel_loop3A_329 = arith.addf %parallel_loop3A_247, %parallel_loop3A_287 : vector<16xf32>
        %parallel_loop3A_330 = arith.index_cast %parallel_loop3A_196 : i32 to index
        %parallel_loop3A_331 = arith.constant 96 : index
        %parallel_loop3A_332 = tpu.vector_load %arg15[%parallel_loop3A_330, %parallel_loop3A_331] {strides = array<i32>} : memref<128x128xf32, #tpu.memory_space<vmem>>, vector<1x16xf32>,
        %parallel_loop3A_333 = vector.shape_cast %parallel_loop3A_332 : vector<1x16xf32> to vector<16xf32>
        %parallel_loop3A_334 = vector.shape_cast %parallel_loop3A_329 : vector<16xf32> to vector<1x16xf32>
        tpu.vector_store %arg15[%parallel_loop3A_330, %parallel_loop3A_331], %parallel_loop3A_334 {add = true, strides = array<i32>} : memref<128x128xf32, #tpu.memory_space<vmem>>, vector<1x16xf32>,
        %parallel_loop3A_335 = arith.addf %parallel_loop3A_252, %parallel_loop3A_292 : vector<16xf32>
        %parallel_loop3A_336 = arith.index_cast %parallel_loop3A_196 : i32 to index
        %parallel_loop3A_337 = arith.constant 112 : index
        %parallel_loop3A_338 = tpu.vector_load %arg15[%parallel_loop3A_336, %parallel_loop3A_337] {strides = array<i32>} : memref<128x128xf32, #tpu.memory_space<vmem>>, vector<1x16xf32>,
        %parallel_loop3A_339 = vector.shape_cast %parallel_loop3A_338 : vector<1x16xf32> to vector<16xf32>
        %parallel_loop3A_340 = vector.shape_cast %parallel_loop3A_335 : vector<16xf32> to vector<1x16xf32>
        tpu.vector_store %arg15[%parallel_loop3A_336, %parallel_loop3A_337], %parallel_loop3A_340 {add = true, strides = array<i32>} : memref<128x128xf32, #tpu.memory_space<vmem>>, vector<1x16xf32>,
      } {sc.loop_unroll_factor = 2 : i64, sc.parallel_access}
      %dma_start3A_168 = arith.constant 0 : i32
      %dma_start3A_169 = tpu.memref_slice %arg9[%add3A_158, %dma_start3A_168] : memref<65536x128xf32, #tpu.memory_space<hbm>> -> memref<128x128xf32, #tpu.memory_space<hbm>>
      %dma_start3A_170 = arith.constant 0 : i32
      %dma_start3A_171 = tpu.memref_slice %arg9[%add3A_158, %dma_start3A_170] : memref<65536x128xf32, #tpu.memory_space<hbm>> -> memref<128x128xf32, #tpu.memory_space<hbm>>
      tpu.enqueue_dma source(%arg15 : memref<128x128xf32, #tpu.memory_space<vmem>>) target(%dma_start3A_171 : memref<128x128xf32, #tpu.memory_space<hbm>>) target_semaphore(%arg19 : memref<!tpu.dma_semaphore, #tpu.memory_space<semaphore_mem>>)
      %mul3A_172 = arith.constant 2 : i32
      %mul3A_173 = arith.muli %scan3A_151, %mul3A_172 : i32
      %add3A_174 = arith.constant 1 : i32
      %add3A_175 = arith.addi %mul3A_173, %add3A_174 : i32
      %mul3A_176 = arith.constant 128 : i32
      %mul3A_177 = arith.muli %add3A_175, %mul3A_176 : i32
      %add3A_178 = arith.addi %mul3A_2, %mul3A_177 : i32
      %mul3A_179 = arith.constant 3 : i32
      %mul3A_180 = arith.muli %mul3A_177, %mul3A_179 : i32
      %gt3A_181 = arith.constant 0 : i32
      %gt3A_182 = arith.cmpi sgt, %scan3A_151, %gt3A_181 : i32
      %convert_element_type3A_183 = arith.extui %gt3A_182 : i1 to i32
      %cond3A_184 = arith.constant 0 : i32
      %cond3A_185 = arith.cmpi ne, %convert_element_type3A_183, %cond3A_184 : i32
      scf.if %cond3A_185 {
        %dma_wait3A_196 = arith.constant 0 : i32
        %dma_wait3A_197 = tpu.memref_slice %arg9[%add3A_178, %dma_wait3A_196] : memref<65536x128xf32, #tpu.memory_space<hbm>> -> memref<128x128xf32, #tpu.memory_space<hbm>>
        %dma_wait3A_198 = arith.constant 0 : i32
        %dma_wait3A_199 = tpu.memref_slice %arg9[%add3A_178, %dma_wait3A_198] : memref<65536x128xf32, #tpu.memory_space<hbm>> -> memref<128x128xf32, #tpu.memory_space<hbm>>
        tpu.wait_dma2 semaphore(%arg20 : memref<!tpu.dma_semaphore, #tpu.memory_space<semaphore_mem>>) src(%arg16 : memref<128x128xf32, #tpu.memory_space<vmem>>) dst(%dma_wait3A_199 : memref<128x128xf32, #tpu.memory_space<hbm>>)
      } else {
      }
      %parallel_loop3A_186 = arith.constant 0 : i32
      %parallel_loop3A_187 = arith.constant 128 : i32
      %parallel_loop3A_188 = arith.constant 1 : i32
      scf.for %parallel_loop3A_196 = %parallel_loop3A_186 to %parallel_loop3A_187 step %parallel_loop3A_188  : i32 {
        %parallel_loop3A_197 = arith.constant 3 : i32
        %parallel_loop3A_198 = arith.muli %parallel_loop3A_197, %parallel_loop3A_196 : i32
        %parallel_loop3A_199 = arith.addi %mul3A_180, %parallel_loop3A_198 : i32
        %parallel_loop3A_200 = arith.index_cast %parallel_loop3A_199 : i32 to index
        %parallel_loop3A_201 = tpu.vector_load %arg12[%parallel_loop3A_200] {strides = array<i32>} : memref<6160xf32, #tpu.memory_space<vmem>>, vector<16xf32>,
        %parallel_loop3A_202 = vector.shape_cast %parallel_loop3A_201 : vector<16xf32> to vector<16xf32>
        %parallel_loop3A_203 = arith.constant 0 : i32
        %parallel_loop3A_204 = vector.broadcast %parallel_loop3A_203 : i32 to vector<16x1xi32>
        %parallel_loop3A_205 = vector.shape_cast %parallel_loop3A_204 : vector<16x1xi32> to vector<16xi32>
        %parallel_loop3A_206 = tpu.dynamic_gather %parallel_loop3A_202[%parallel_loop3A_205] in [0] : vector<16xf32>, vector<16xi32> -> vector<16xf32>
        %parallel_loop3A_207 = arith.constant 1 : i32
        %parallel_loop3A_208 = vector.broadcast %parallel_loop3A_207 : i32 to vector<16x1xi32>
        %parallel_loop3A_209 = vector.shape_cast %parallel_loop3A_208 : vector<16x1xi32> to vector<16xi32>
        %parallel_loop3A_210 = tpu.dynamic_gather %parallel_loop3A_202[%parallel_loop3A_209] in [0] : vector<16xf32>, vector<16xi32> -> vector<16xf32>
        %parallel_loop3A_211 = arith.constant 2 : i32
        %parallel_loop3A_212 = vector.broadcast %parallel_loop3A_211 : i32 to vector<16x1xi32>
        %parallel_loop3A_213 = vector.shape_cast %parallel_loop3A_212 : vector<16x1xi32> to vector<16xi32>
        %parallel_loop3A_214 = tpu.dynamic_gather %parallel_loop3A_202[%parallel_loop3A_213] in [0] : vector<16xf32>, vector<16xi32> -> vector<16xf32>
        %parallel_loop3A_215 = arith.mulf %parallel_loop3A_206, %get3A_40 : vector<16xf32>
        %parallel_loop3A_216 = arith.addf %get3A_112, %parallel_loop3A_215 : vector<16xf32>
        %parallel_loop3A_217 = arith.mulf %parallel_loop3A_210, %get3A_64 : vector<16xf32>
        %parallel_loop3A_218 = arith.addf %parallel_loop3A_216, %parallel_loop3A_217 : vector<16xf32>
        %parallel_loop3A_219 = arith.mulf %parallel_loop3A_214, %get3A_88 : vector<16xf32>
        %parallel_loop3A_220 = arith.addf %parallel_loop3A_218, %parallel_loop3A_219 : vector<16xf32>
        %parallel_loop3A_221 = arith.constant 0.000000e+00 : f32
        %parallel_loop3A_222 = vector.broadcast %parallel_loop3A_221 : f32 to vector<16xf32>
        %parallel_loop3A_223 = arith.subf %parallel_loop3A_222, %parallel_loop3A_220 : vector<16xf32>
        %parallel_loop3A_224 = math.exp %parallel_loop3A_223 : vector<16xf32>
        %parallel_loop3A_225 = arith.constant 1.000000e+00 : f32
        %parallel_loop3A_226 = vector.broadcast %parallel_loop3A_225 : f32 to vector<16xf32>
        %parallel_loop3A_227 = arith.addf %parallel_loop3A_226, %parallel_loop3A_224 : vector<16xf32>
        %parallel_loop3A_228 = arith.divf %parallel_loop3A_220, %parallel_loop3A_227 : vector<16xf32>
        %parallel_loop3A_229 = arith.index_cast %parallel_loop3A_196 : i32 to index
        %parallel_loop3A_230 = arith.constant 0 : index
        %parallel_loop3A_231 = tpu.vector_load %arg16[%parallel_loop3A_229, %parallel_loop3A_230] {strides = array<i32>} : memref<128x128xf32, #tpu.memory_space<vmem>>, vector<1x16xf32>,
        %parallel_loop3A_232 = vector.shape_cast %parallel_loop3A_231 : vector<1x16xf32> to vector<16xf32>
        %parallel_loop3A_233 = vector.shape_cast %parallel_loop3A_228 : vector<16xf32> to vector<1x16xf32>
        tpu.vector_store %arg16[%parallel_loop3A_229, %parallel_loop3A_230], %parallel_loop3A_233 {strides = array<i32>} : memref<128x128xf32, #tpu.memory_space<vmem>>, vector<1x16xf32>,
        %parallel_loop3A_234 = arith.mulf %parallel_loop3A_206, %get3A_43 : vector<16xf32>
        %parallel_loop3A_235 = arith.addf %get3A_115, %parallel_loop3A_234 : vector<16xf32>
        %parallel_loop3A_236 = arith.mulf %parallel_loop3A_210, %get3A_67 : vector<16xf32>
        %parallel_loop3A_237 = arith.addf %parallel_loop3A_235, %parallel_loop3A_236 : vector<16xf32>
        %parallel_loop3A_238 = arith.mulf %parallel_loop3A_214, %get3A_91 : vector<16xf32>
        %parallel_loop3A_239 = arith.addf %parallel_loop3A_237, %parallel_loop3A_238 : vector<16xf32>
        %parallel_loop3A_240 = arith.constant 0.000000e+00 : f32
        %parallel_loop3A_241 = vector.broadcast %parallel_loop3A_240 : f32 to vector<16xf32>
        %parallel_loop3A_242 = arith.subf %parallel_loop3A_241, %parallel_loop3A_239 : vector<16xf32>
        %parallel_loop3A_243 = math.exp %parallel_loop3A_242 : vector<16xf32>
        %parallel_loop3A_244 = arith.constant 1.000000e+00 : f32
        %parallel_loop3A_245 = vector.broadcast %parallel_loop3A_244 : f32 to vector<16xf32>
        %parallel_loop3A_246 = arith.addf %parallel_loop3A_245, %parallel_loop3A_243 : vector<16xf32>
        %parallel_loop3A_247 = arith.divf %parallel_loop3A_239, %parallel_loop3A_246 : vector<16xf32>
        %parallel_loop3A_248 = arith.index_cast %parallel_loop3A_196 : i32 to index
        %parallel_loop3A_249 = arith.constant 16 : index
        %parallel_loop3A_250 = tpu.vector_load %arg16[%parallel_loop3A_248, %parallel_loop3A_249] {strides = array<i32>} : memref<128x128xf32, #tpu.memory_space<vmem>>, vector<1x16xf32>,
        %parallel_loop3A_251 = vector.shape_cast %parallel_loop3A_250 : vector<1x16xf32> to vector<16xf32>
        %parallel_loop3A_252 = vector.shape_cast %parallel_loop3A_247 : vector<16xf32> to vector<1x16xf32>
        tpu.vector_store %arg16[%parallel_loop3A_248, %parallel_loop3A_249], %parallel_loop3A_252 {strides = array<i32>} : memref<128x128xf32, #tpu.memory_space<vmem>>, vector<1x16xf32>,
        %parallel_loop3A_253 = arith.mulf %parallel_loop3A_206, %get3A_46 : vector<16xf32>
        %parallel_loop3A_254 = arith.addf %get3A_118, %parallel_loop3A_253 : vector<16xf32>
        %parallel_loop3A_255 = arith.mulf %parallel_loop3A_210, %get3A_70 : vector<16xf32>
        %parallel_loop3A_256 = arith.addf %parallel_loop3A_254, %parallel_loop3A_255 : vector<16xf32>
        %parallel_loop3A_257 = arith.mulf %parallel_loop3A_214, %get3A_94 : vector<16xf32>
        %parallel_loop3A_258 = arith.addf %parallel_loop3A_256, %parallel_loop3A_257 : vector<16xf32>
        %parallel_loop3A_259 = arith.constant 0.000000e+00 : f32
        %parallel_loop3A_260 = vector.broadcast %parallel_loop3A_259 : f32 to vector<16xf32>
        %parallel_loop3A_261 = arith.subf %parallel_loop3A_260, %parallel_loop3A_258 : vector<16xf32>
        %parallel_loop3A_262 = math.exp %parallel_loop3A_261 : vector<16xf32>
        %parallel_loop3A_263 = arith.constant 1.000000e+00 : f32
        %parallel_loop3A_264 = vector.broadcast %parallel_loop3A_263 : f32 to vector<16xf32>
        %parallel_loop3A_265 = arith.addf %parallel_loop3A_264, %parallel_loop3A_262 : vector<16xf32>
        %parallel_loop3A_266 = arith.divf %parallel_loop3A_258, %parallel_loop3A_265 : vector<16xf32>
        %parallel_loop3A_267 = arith.index_cast %parallel_loop3A_196 : i32 to index
        %parallel_loop3A_268 = arith.constant 32 : index
        %parallel_loop3A_269 = tpu.vector_load %arg16[%parallel_loop3A_267, %parallel_loop3A_268] {strides = array<i32>} : memref<128x128xf32, #tpu.memory_space<vmem>>, vector<1x16xf32>,
        %parallel_loop3A_270 = vector.shape_cast %parallel_loop3A_269 : vector<1x16xf32> to vector<16xf32>
        %parallel_loop3A_271 = vector.shape_cast %parallel_loop3A_266 : vector<16xf32> to vector<1x16xf32>
        tpu.vector_store %arg16[%parallel_loop3A_267, %parallel_loop3A_268], %parallel_loop3A_271 {strides = array<i32>} : memref<128x128xf32, #tpu.memory_space<vmem>>, vector<1x16xf32>,
        %parallel_loop3A_272 = arith.mulf %parallel_loop3A_206, %get3A_49 : vector<16xf32>
        %parallel_loop3A_273 = arith.addf %get3A_121, %parallel_loop3A_272 : vector<16xf32>
        %parallel_loop3A_274 = arith.mulf %parallel_loop3A_210, %get3A_73 : vector<16xf32>
        %parallel_loop3A_275 = arith.addf %parallel_loop3A_273, %parallel_loop3A_274 : vector<16xf32>
        %parallel_loop3A_276 = arith.mulf %parallel_loop3A_214, %get3A_97 : vector<16xf32>
        %parallel_loop3A_277 = arith.addf %parallel_loop3A_275, %parallel_loop3A_276 : vector<16xf32>
        %parallel_loop3A_278 = arith.constant 0.000000e+00 : f32
        %parallel_loop3A_279 = vector.broadcast %parallel_loop3A_278 : f32 to vector<16xf32>
        %parallel_loop3A_280 = arith.subf %parallel_loop3A_279, %parallel_loop3A_277 : vector<16xf32>
        %parallel_loop3A_281 = math.exp %parallel_loop3A_280 : vector<16xf32>
        %parallel_loop3A_282 = arith.constant 1.000000e+00 : f32
        %parallel_loop3A_283 = vector.broadcast %parallel_loop3A_282 : f32 to vector<16xf32>
        %parallel_loop3A_284 = arith.addf %parallel_loop3A_283, %parallel_loop3A_281 : vector<16xf32>
        %parallel_loop3A_285 = arith.divf %parallel_loop3A_277, %parallel_loop3A_284 : vector<16xf32>
        %parallel_loop3A_286 = arith.index_cast %parallel_loop3A_196 : i32 to index
        %parallel_loop3A_287 = arith.constant 48 : index
        %parallel_loop3A_288 = tpu.vector_load %arg16[%parallel_loop3A_286, %parallel_loop3A_287] {strides = array<i32>} : memref<128x128xf32, #tpu.memory_space<vmem>>, vector<1x16xf32>,
        %parallel_loop3A_289 = vector.shape_cast %parallel_loop3A_288 : vector<1x16xf32> to vector<16xf32>
        %parallel_loop3A_290 = vector.shape_cast %parallel_loop3A_285 : vector<16xf32> to vector<1x16xf32>
        tpu.vector_store %arg16[%parallel_loop3A_286, %parallel_loop3A_287], %parallel_loop3A_290 {strides = array<i32>} : memref<128x128xf32, #tpu.memory_space<vmem>>, vector<1x16xf32>,
        %parallel_loop3A_291 = arith.mulf %parallel_loop3A_206, %get3A_52 : vector<16xf32>
        %parallel_loop3A_292 = arith.addf %get3A_124, %parallel_loop3A_291 : vector<16xf32>
        %parallel_loop3A_293 = arith.mulf %parallel_loop3A_210, %get3A_76 : vector<16xf32>
        %parallel_loop3A_294 = arith.addf %parallel_loop3A_292, %parallel_loop3A_293 : vector<16xf32>
        %parallel_loop3A_295 = arith.mulf %parallel_loop3A_214, %get3A_100 : vector<16xf32>
        %parallel_loop3A_296 = arith.addf %parallel_loop3A_294, %parallel_loop3A_295 : vector<16xf32>
        %parallel_loop3A_297 = arith.constant 0.000000e+00 : f32
        %parallel_loop3A_298 = vector.broadcast %parallel_loop3A_297 : f32 to vector<16xf32>
        %parallel_loop3A_299 = arith.subf %parallel_loop3A_298, %parallel_loop3A_296 : vector<16xf32>
        %parallel_loop3A_300 = math.exp %parallel_loop3A_299 : vector<16xf32>
        %parallel_loop3A_301 = arith.constant 1.000000e+00 : f32
        %parallel_loop3A_302 = vector.broadcast %parallel_loop3A_301 : f32 to vector<16xf32>
        %parallel_loop3A_303 = arith.addf %parallel_loop3A_302, %parallel_loop3A_300 : vector<16xf32>
        %parallel_loop3A_304 = arith.divf %parallel_loop3A_296, %parallel_loop3A_303 : vector<16xf32>
        %parallel_loop3A_305 = arith.index_cast %parallel_loop3A_196 : i32 to index
        %parallel_loop3A_306 = arith.constant 64 : index
        %parallel_loop3A_307 = tpu.vector_load %arg16[%parallel_loop3A_305, %parallel_loop3A_306] {strides = array<i32>} : memref<128x128xf32, #tpu.memory_space<vmem>>, vector<1x16xf32>,
        %parallel_loop3A_308 = vector.shape_cast %parallel_loop3A_307 : vector<1x16xf32> to vector<16xf32>
        %parallel_loop3A_309 = vector.shape_cast %parallel_loop3A_304 : vector<16xf32> to vector<1x16xf32>
        tpu.vector_store %arg16[%parallel_loop3A_305, %parallel_loop3A_306], %parallel_loop3A_309 {strides = array<i32>} : memref<128x128xf32, #tpu.memory_space<vmem>>, vector<1x16xf32>,
        %parallel_loop3A_310 = arith.mulf %parallel_loop3A_206, %get3A_55 : vector<16xf32>
        %parallel_loop3A_311 = arith.addf %get3A_127, %parallel_loop3A_310 : vector<16xf32>
        %parallel_loop3A_312 = arith.mulf %parallel_loop3A_210, %get3A_79 : vector<16xf32>
        %parallel_loop3A_313 = arith.addf %parallel_loop3A_311, %parallel_loop3A_312 : vector<16xf32>
        %parallel_loop3A_314 = arith.mulf %parallel_loop3A_214, %get3A_103 : vector<16xf32>
        %parallel_loop3A_315 = arith.addf %parallel_loop3A_313, %parallel_loop3A_314 : vector<16xf32>
        %parallel_loop3A_316 = arith.constant 0.000000e+00 : f32
        %parallel_loop3A_317 = vector.broadcast %parallel_loop3A_316 : f32 to vector<16xf32>
        %parallel_loop3A_318 = arith.subf %parallel_loop3A_317, %parallel_loop3A_315 : vector<16xf32>
        %parallel_loop3A_319 = math.exp %parallel_loop3A_318 : vector<16xf32>
        %parallel_loop3A_320 = arith.constant 1.000000e+00 : f32
        %parallel_loop3A_321 = vector.broadcast %parallel_loop3A_320 : f32 to vector<16xf32>
        %parallel_loop3A_322 = arith.addf %parallel_loop3A_321, %parallel_loop3A_319 : vector<16xf32>
        %parallel_loop3A_323 = arith.divf %parallel_loop3A_315, %parallel_loop3A_322 : vector<16xf32>
        %parallel_loop3A_324 = arith.index_cast %parallel_loop3A_196 : i32 to index
        %parallel_loop3A_325 = arith.constant 80 : index
        %parallel_loop3A_326 = tpu.vector_load %arg16[%parallel_loop3A_324, %parallel_loop3A_325] {strides = array<i32>} : memref<128x128xf32, #tpu.memory_space<vmem>>, vector<1x16xf32>,
        %parallel_loop3A_327 = vector.shape_cast %parallel_loop3A_326 : vector<1x16xf32> to vector<16xf32>
        %parallel_loop3A_328 = vector.shape_cast %parallel_loop3A_323 : vector<16xf32> to vector<1x16xf32>
        tpu.vector_store %arg16[%parallel_loop3A_324, %parallel_loop3A_325], %parallel_loop3A_328 {strides = array<i32>} : memref<128x128xf32, #tpu.memory_space<vmem>>, vector<1x16xf32>,
        %parallel_loop3A_329 = arith.mulf %parallel_loop3A_206, %get3A_58 : vector<16xf32>
        %parallel_loop3A_330 = arith.addf %get3A_130, %parallel_loop3A_329 : vector<16xf32>
        %parallel_loop3A_331 = arith.mulf %parallel_loop3A_210, %get3A_82 : vector<16xf32>
        %parallel_loop3A_332 = arith.addf %parallel_loop3A_330, %parallel_loop3A_331 : vector<16xf32>
        %parallel_loop3A_333 = arith.mulf %parallel_loop3A_214, %get3A_106 : vector<16xf32>
        %parallel_loop3A_334 = arith.addf %parallel_loop3A_332, %parallel_loop3A_333 : vector<16xf32>
        %parallel_loop3A_335 = arith.constant 0.000000e+00 : f32
        %parallel_loop3A_336 = vector.broadcast %parallel_loop3A_335 : f32 to vector<16xf32>
        %parallel_loop3A_337 = arith.subf %parallel_loop3A_336, %parallel_loop3A_334 : vector<16xf32>
        %parallel_loop3A_338 = math.exp %parallel_loop3A_337 : vector<16xf32>
        %parallel_loop3A_339 = arith.constant 1.000000e+00 : f32
        %parallel_loop3A_340 = vector.broadcast %parallel_loop3A_339 : f32 to vector<16xf32>
        %parallel_loop3A_341 = arith.addf %parallel_loop3A_340, %parallel_loop3A_338 : vector<16xf32>
        %parallel_loop3A_342 = arith.divf %parallel_loop3A_334, %parallel_loop3A_341 : vector<16xf32>
        %parallel_loop3A_343 = arith.index_cast %parallel_loop3A_196 : i32 to index
        %parallel_loop3A_344 = arith.constant 96 : index
        %parallel_loop3A_345 = tpu.vector_load %arg16[%parallel_loop3A_343, %parallel_loop3A_344] {strides = array<i32>} : memref<128x128xf32, #tpu.memory_space<vmem>>, vector<1x16xf32>,
        %parallel_loop3A_346 = vector.shape_cast %parallel_loop3A_345 : vector<1x16xf32> to vector<16xf32>
        %parallel_loop3A_347 = vector.shape_cast %parallel_loop3A_342 : vector<16xf32> to vector<1x16xf32>
        tpu.vector_store %arg16[%parallel_loop3A_343, %parallel_loop3A_344], %parallel_loop3A_347 {strides = array<i32>} : memref<128x128xf32, #tpu.memory_space<vmem>>, vector<1x16xf32>,
        %parallel_loop3A_348 = arith.mulf %parallel_loop3A_206, %get3A_61 : vector<16xf32>
        %parallel_loop3A_349 = arith.addf %get3A_133, %parallel_loop3A_348 : vector<16xf32>
        %parallel_loop3A_350 = arith.mulf %parallel_loop3A_210, %get3A_85 : vector<16xf32>
        %parallel_loop3A_351 = arith.addf %parallel_loop3A_349, %parallel_loop3A_350 : vector<16xf32>
        %parallel_loop3A_352 = arith.mulf %parallel_loop3A_214, %get3A_109 : vector<16xf32>
        %parallel_loop3A_353 = arith.addf %parallel_loop3A_351, %parallel_loop3A_352 : vector<16xf32>
        %parallel_loop3A_354 = arith.constant 0.000000e+00 : f32
        %parallel_loop3A_355 = vector.broadcast %parallel_loop3A_354 : f32 to vector<16xf32>
        %parallel_loop3A_356 = arith.subf %parallel_loop3A_355, %parallel_loop3A_353 : vector<16xf32>
        %parallel_loop3A_357 = math.exp %parallel_loop3A_356 : vector<16xf32>
        %parallel_loop3A_358 = arith.constant 1.000000e+00 : f32
        %parallel_loop3A_359 = vector.broadcast %parallel_loop3A_358 : f32 to vector<16xf32>
        %parallel_loop3A_360 = arith.addf %parallel_loop3A_359, %parallel_loop3A_357 : vector<16xf32>
        %parallel_loop3A_361 = arith.divf %parallel_loop3A_353, %parallel_loop3A_360 : vector<16xf32>
        %parallel_loop3A_362 = arith.index_cast %parallel_loop3A_196 : i32 to index
        %parallel_loop3A_363 = arith.constant 112 : index
        %parallel_loop3A_364 = tpu.vector_load %arg16[%parallel_loop3A_362, %parallel_loop3A_363] {strides = array<i32>} : memref<128x128xf32, #tpu.memory_space<vmem>>, vector<1x16xf32>,
        %parallel_loop3A_365 = vector.shape_cast %parallel_loop3A_364 : vector<1x16xf32> to vector<16xf32>
        %parallel_loop3A_366 = vector.shape_cast %parallel_loop3A_361 : vector<16xf32> to vector<1x16xf32>
        tpu.vector_store %arg16[%parallel_loop3A_362, %parallel_loop3A_363], %parallel_loop3A_366 {strides = array<i32>} : memref<128x128xf32, #tpu.memory_space<vmem>>, vector<1x16xf32>,
      } {sc.loop_unroll_factor = 2 : i64, sc.parallel_access}
      %parallel_loop3A_189 = arith.constant 0 : i32
      %parallel_loop3A_190 = arith.constant 128 : i32
      %parallel_loop3A_191 = arith.constant 1 : i32
      scf.for %parallel_loop3A_196 = %parallel_loop3A_189 to %parallel_loop3A_190 step %parallel_loop3A_191  : i32 {
        %parallel_loop3A_197 = arith.addi %mul3A_177, %parallel_loop3A_196 : i32
        %parallel_loop3A_198 = arith.index_cast %parallel_loop3A_197 : i32 to index
        %parallel_loop3A_199 = tpu.vector_load %arg10[%parallel_loop3A_198] {strides = array<i32>} : memref<2064xi32, #tpu.memory_space<vmem>>, vector<16xi32>,
        %parallel_loop3A_200 = vector.shape_cast %parallel_loop3A_199 : vector<16xi32> to vector<16xi32>
        %parallel_loop3A_201 = arith.addi %mul3A_177, %parallel_loop3A_196 : i32
        %parallel_loop3A_202 = arith.index_cast %parallel_loop3A_201 : i32 to index
        %parallel_loop3A_203 = tpu.vector_load %arg11[%parallel_loop3A_202] {strides = array<i32>} : memref<2064xi32, #tpu.memory_space<vmem>>, vector<16xi32>,
        %parallel_loop3A_204 = vector.shape_cast %parallel_loop3A_203 : vector<16xi32> to vector<16xi32>
        %parallel_loop3A_205 = vector.extract_strided_slice %parallel_loop3A_200 {offsets = [0], sizes = [1], strides = [1]} : vector<16xi32> to vector<1xi32>
        %parallel_loop3A_206 = vector.extract %parallel_loop3A_205[0] : i32 from vector<1xi32>
        %parallel_loop3A_207 = arith.constant 128 : i32
        %parallel_loop3A_208 = arith.muli %parallel_loop3A_206, %parallel_loop3A_207 : i32
        %parallel_loop3A_209 = vector.extract_strided_slice %parallel_loop3A_204 {offsets = [0], sizes = [1], strides = [1]} : vector<16xi32> to vector<1xi32>
        %parallel_loop3A_210 = vector.extract %parallel_loop3A_209[0] : i32 from vector<1xi32>
        %parallel_loop3A_211 = arith.constant 128 : i32
        %parallel_loop3A_212 = arith.muli %parallel_loop3A_210, %parallel_loop3A_211 : i32
        %parallel_loop3A_213 = arith.constant 0 : i32
        %parallel_loop3A_214 = arith.addi %parallel_loop3A_208, %parallel_loop3A_213 : i32
        %parallel_loop3A_215 = arith.index_cast %parallel_loop3A_214 : i32 to index
        %parallel_loop3A_216 = tpu.vector_load %arg13[%parallel_loop3A_215] {strides = array<i32>} : memref<16384xf32, #tpu.memory_space<vmem>>, vector<16xf32>,
        %parallel_loop3A_217 = vector.shape_cast %parallel_loop3A_216 : vector<16xf32> to vector<16xf32>
        %parallel_loop3A_218 = arith.constant 16 : i32
        %parallel_loop3A_219 = arith.addi %parallel_loop3A_208, %parallel_loop3A_218 : i32
        %parallel_loop3A_220 = arith.index_cast %parallel_loop3A_219 : i32 to index
        %parallel_loop3A_221 = tpu.vector_load %arg13[%parallel_loop3A_220] {strides = array<i32>} : memref<16384xf32, #tpu.memory_space<vmem>>, vector<16xf32>,
        %parallel_loop3A_222 = vector.shape_cast %parallel_loop3A_221 : vector<16xf32> to vector<16xf32>
        %parallel_loop3A_223 = arith.constant 32 : i32
        %parallel_loop3A_224 = arith.addi %parallel_loop3A_208, %parallel_loop3A_223 : i32
        %parallel_loop3A_225 = arith.index_cast %parallel_loop3A_224 : i32 to index
        %parallel_loop3A_226 = tpu.vector_load %arg13[%parallel_loop3A_225] {strides = array<i32>} : memref<16384xf32, #tpu.memory_space<vmem>>, vector<16xf32>,
        %parallel_loop3A_227 = vector.shape_cast %parallel_loop3A_226 : vector<16xf32> to vector<16xf32>
        %parallel_loop3A_228 = arith.constant 48 : i32
        %parallel_loop3A_229 = arith.addi %parallel_loop3A_208, %parallel_loop3A_228 : i32
        %parallel_loop3A_230 = arith.index_cast %parallel_loop3A_229 : i32 to index
        %parallel_loop3A_231 = tpu.vector_load %arg13[%parallel_loop3A_230] {strides = array<i32>} : memref<16384xf32, #tpu.memory_space<vmem>>, vector<16xf32>,
        %parallel_loop3A_232 = vector.shape_cast %parallel_loop3A_231 : vector<16xf32> to vector<16xf32>
        %parallel_loop3A_233 = arith.constant 64 : i32
        %parallel_loop3A_234 = arith.addi %parallel_loop3A_208, %parallel_loop3A_233 : i32
        %parallel_loop3A_235 = arith.index_cast %parallel_loop3A_234 : i32 to index
        %parallel_loop3A_236 = tpu.vector_load %arg13[%parallel_loop3A_235] {strides = array<i32>} : memref<16384xf32, #tpu.memory_space<vmem>>, vector<16xf32>,
        %parallel_loop3A_237 = vector.shape_cast %parallel_loop3A_236 : vector<16xf32> to vector<16xf32>
        %parallel_loop3A_238 = arith.constant 80 : i32
        %parallel_loop3A_239 = arith.addi %parallel_loop3A_208, %parallel_loop3A_238 : i32
        %parallel_loop3A_240 = arith.index_cast %parallel_loop3A_239 : i32 to index
        %parallel_loop3A_241 = tpu.vector_load %arg13[%parallel_loop3A_240] {strides = array<i32>} : memref<16384xf32, #tpu.memory_space<vmem>>, vector<16xf32>,
        %parallel_loop3A_242 = vector.shape_cast %parallel_loop3A_241 : vector<16xf32> to vector<16xf32>
        %parallel_loop3A_243 = arith.constant 96 : i32
        %parallel_loop3A_244 = arith.addi %parallel_loop3A_208, %parallel_loop3A_243 : i32
        %parallel_loop3A_245 = arith.index_cast %parallel_loop3A_244 : i32 to index
        %parallel_loop3A_246 = tpu.vector_load %arg13[%parallel_loop3A_245] {strides = array<i32>} : memref<16384xf32, #tpu.memory_space<vmem>>, vector<16xf32>,
        %parallel_loop3A_247 = vector.shape_cast %parallel_loop3A_246 : vector<16xf32> to vector<16xf32>
        %parallel_loop3A_248 = arith.constant 112 : i32
        %parallel_loop3A_249 = arith.addi %parallel_loop3A_208, %parallel_loop3A_248 : i32
        %parallel_loop3A_250 = arith.index_cast %parallel_loop3A_249 : i32 to index
        %parallel_loop3A_251 = tpu.vector_load %arg13[%parallel_loop3A_250] {strides = array<i32>} : memref<16384xf32, #tpu.memory_space<vmem>>, vector<16xf32>,
        %parallel_loop3A_252 = vector.shape_cast %parallel_loop3A_251 : vector<16xf32> to vector<16xf32>
        %parallel_loop3A_253 = arith.constant 0 : i32
        %parallel_loop3A_254 = arith.addi %parallel_loop3A_212, %parallel_loop3A_253 : i32
        %parallel_loop3A_255 = arith.index_cast %parallel_loop3A_254 : i32 to index
        %parallel_loop3A_256 = tpu.vector_load %arg14[%parallel_loop3A_255] {strides = array<i32>} : memref<65536xf32, #tpu.memory_space<vmem>>, vector<16xf32>,
        %parallel_loop3A_257 = vector.shape_cast %parallel_loop3A_256 : vector<16xf32> to vector<16xf32>
        %parallel_loop3A_258 = arith.constant 16 : i32
        %parallel_loop3A_259 = arith.addi %parallel_loop3A_212, %parallel_loop3A_258 : i32
        %parallel_loop3A_260 = arith.index_cast %parallel_loop3A_259 : i32 to index
        %parallel_loop3A_261 = tpu.vector_load %arg14[%parallel_loop3A_260] {strides = array<i32>} : memref<65536xf32, #tpu.memory_space<vmem>>, vector<16xf32>,
        %parallel_loop3A_262 = vector.shape_cast %parallel_loop3A_261 : vector<16xf32> to vector<16xf32>
        %parallel_loop3A_263 = arith.constant 32 : i32
        %parallel_loop3A_264 = arith.addi %parallel_loop3A_212, %parallel_loop3A_263 : i32
        %parallel_loop3A_265 = arith.index_cast %parallel_loop3A_264 : i32 to index
        %parallel_loop3A_266 = tpu.vector_load %arg14[%parallel_loop3A_265] {strides = array<i32>} : memref<65536xf32, #tpu.memory_space<vmem>>, vector<16xf32>,
        %parallel_loop3A_267 = vector.shape_cast %parallel_loop3A_266 : vector<16xf32> to vector<16xf32>
        %parallel_loop3A_268 = arith.constant 48 : i32
        %parallel_loop3A_269 = arith.addi %parallel_loop3A_212, %parallel_loop3A_268 : i32
        %parallel_loop3A_270 = arith.index_cast %parallel_loop3A_269 : i32 to index
        %parallel_loop3A_271 = tpu.vector_load %arg14[%parallel_loop3A_270] {strides = array<i32>} : memref<65536xf32, #tpu.memory_space<vmem>>, vector<16xf32>,
        %parallel_loop3A_272 = vector.shape_cast %parallel_loop3A_271 : vector<16xf32> to vector<16xf32>
        %parallel_loop3A_273 = arith.constant 64 : i32
        %parallel_loop3A_274 = arith.addi %parallel_loop3A_212, %parallel_loop3A_273 : i32
        %parallel_loop3A_275 = arith.index_cast %parallel_loop3A_274 : i32 to index
        %parallel_loop3A_276 = tpu.vector_load %arg14[%parallel_loop3A_275] {strides = array<i32>} : memref<65536xf32, #tpu.memory_space<vmem>>, vector<16xf32>,
        %parallel_loop3A_277 = vector.shape_cast %parallel_loop3A_276 : vector<16xf32> to vector<16xf32>
        %parallel_loop3A_278 = arith.constant 80 : i32
        %parallel_loop3A_279 = arith.addi %parallel_loop3A_212, %parallel_loop3A_278 : i32
        %parallel_loop3A_280 = arith.index_cast %parallel_loop3A_279 : i32 to index
        %parallel_loop3A_281 = tpu.vector_load %arg14[%parallel_loop3A_280] {strides = array<i32>} : memref<65536xf32, #tpu.memory_space<vmem>>, vector<16xf32>,
        %parallel_loop3A_282 = vector.shape_cast %parallel_loop3A_281 : vector<16xf32> to vector<16xf32>
        %parallel_loop3A_283 = arith.constant 96 : i32
        %parallel_loop3A_284 = arith.addi %parallel_loop3A_212, %parallel_loop3A_283 : i32
        %parallel_loop3A_285 = arith.index_cast %parallel_loop3A_284 : i32 to index
        %parallel_loop3A_286 = tpu.vector_load %arg14[%parallel_loop3A_285] {strides = array<i32>} : memref<65536xf32, #tpu.memory_space<vmem>>, vector<16xf32>,
        %parallel_loop3A_287 = vector.shape_cast %parallel_loop3A_286 : vector<16xf32> to vector<16xf32>
        %parallel_loop3A_288 = arith.constant 112 : i32
        %parallel_loop3A_289 = arith.addi %parallel_loop3A_212, %parallel_loop3A_288 : i32
        %parallel_loop3A_290 = arith.index_cast %parallel_loop3A_289 : i32 to index
        %parallel_loop3A_291 = tpu.vector_load %arg14[%parallel_loop3A_290] {strides = array<i32>} : memref<65536xf32, #tpu.memory_space<vmem>>, vector<16xf32>,
        %parallel_loop3A_292 = vector.shape_cast %parallel_loop3A_291 : vector<16xf32> to vector<16xf32>
        %parallel_loop3A_293 = arith.addf %parallel_loop3A_217, %parallel_loop3A_257 : vector<16xf32>
        %parallel_loop3A_294 = arith.index_cast %parallel_loop3A_196 : i32 to index
        %parallel_loop3A_295 = arith.constant 0 : index
        %parallel_loop3A_296 = tpu.vector_load %arg16[%parallel_loop3A_294, %parallel_loop3A_295] {strides = array<i32>} : memref<128x128xf32, #tpu.memory_space<vmem>>, vector<1x16xf32>,
        %parallel_loop3A_297 = vector.shape_cast %parallel_loop3A_296 : vector<1x16xf32> to vector<16xf32>
        %parallel_loop3A_298 = vector.shape_cast %parallel_loop3A_293 : vector<16xf32> to vector<1x16xf32>
        tpu.vector_store %arg16[%parallel_loop3A_294, %parallel_loop3A_295], %parallel_loop3A_298 {add = true, strides = array<i32>} : memref<128x128xf32, #tpu.memory_space<vmem>>, vector<1x16xf32>,
        %parallel_loop3A_299 = arith.addf %parallel_loop3A_222, %parallel_loop3A_262 : vector<16xf32>
        %parallel_loop3A_300 = arith.index_cast %parallel_loop3A_196 : i32 to index
        %parallel_loop3A_301 = arith.constant 16 : index
        %parallel_loop3A_302 = tpu.vector_load %arg16[%parallel_loop3A_300, %parallel_loop3A_301] {strides = array<i32>} : memref<128x128xf32, #tpu.memory_space<vmem>>, vector<1x16xf32>,
        %parallel_loop3A_303 = vector.shape_cast %parallel_loop3A_302 : vector<1x16xf32> to vector<16xf32>
        %parallel_loop3A_304 = vector.shape_cast %parallel_loop3A_299 : vector<16xf32> to vector<1x16xf32>
        tpu.vector_store %arg16[%parallel_loop3A_300, %parallel_loop3A_301], %parallel_loop3A_304 {add = true, strides = array<i32>} : memref<128x128xf32, #tpu.memory_space<vmem>>, vector<1x16xf32>,
        %parallel_loop3A_305 = arith.addf %parallel_loop3A_227, %parallel_loop3A_267 : vector<16xf32>
        %parallel_loop3A_306 = arith.index_cast %parallel_loop3A_196 : i32 to index
        %parallel_loop3A_307 = arith.constant 32 : index
        %parallel_loop3A_308 = tpu.vector_load %arg16[%parallel_loop3A_306, %parallel_loop3A_307] {strides = array<i32>} : memref<128x128xf32, #tpu.memory_space<vmem>>, vector<1x16xf32>,
        %parallel_loop3A_309 = vector.shape_cast %parallel_loop3A_308 : vector<1x16xf32> to vector<16xf32>
        %parallel_loop3A_310 = vector.shape_cast %parallel_loop3A_305 : vector<16xf32> to vector<1x16xf32>
        tpu.vector_store %arg16[%parallel_loop3A_306, %parallel_loop3A_307], %parallel_loop3A_310 {add = true, strides = array<i32>} : memref<128x128xf32, #tpu.memory_space<vmem>>, vector<1x16xf32>,
        %parallel_loop3A_311 = arith.addf %parallel_loop3A_232, %parallel_loop3A_272 : vector<16xf32>
        %parallel_loop3A_312 = arith.index_cast %parallel_loop3A_196 : i32 to index
        %parallel_loop3A_313 = arith.constant 48 : index
        %parallel_loop3A_314 = tpu.vector_load %arg16[%parallel_loop3A_312, %parallel_loop3A_313] {strides = array<i32>} : memref<128x128xf32, #tpu.memory_space<vmem>>, vector<1x16xf32>,
        %parallel_loop3A_315 = vector.shape_cast %parallel_loop3A_314 : vector<1x16xf32> to vector<16xf32>
        %parallel_loop3A_316 = vector.shape_cast %parallel_loop3A_311 : vector<16xf32> to vector<1x16xf32>
        tpu.vector_store %arg16[%parallel_loop3A_312, %parallel_loop3A_313], %parallel_loop3A_316 {add = true, strides = array<i32>} : memref<128x128xf32, #tpu.memory_space<vmem>>, vector<1x16xf32>,
        %parallel_loop3A_317 = arith.addf %parallel_loop3A_237, %parallel_loop3A_277 : vector<16xf32>
        %parallel_loop3A_318 = arith.index_cast %parallel_loop3A_196 : i32 to index
        %parallel_loop3A_319 = arith.constant 64 : index
        %parallel_loop3A_320 = tpu.vector_load %arg16[%parallel_loop3A_318, %parallel_loop3A_319] {strides = array<i32>} : memref<128x128xf32, #tpu.memory_space<vmem>>, vector<1x16xf32>,
        %parallel_loop3A_321 = vector.shape_cast %parallel_loop3A_320 : vector<1x16xf32> to vector<16xf32>
        %parallel_loop3A_322 = vector.shape_cast %parallel_loop3A_317 : vector<16xf32> to vector<1x16xf32>
        tpu.vector_store %arg16[%parallel_loop3A_318, %parallel_loop3A_319], %parallel_loop3A_322 {add = true, strides = array<i32>} : memref<128x128xf32, #tpu.memory_space<vmem>>, vector<1x16xf32>,
        %parallel_loop3A_323 = arith.addf %parallel_loop3A_242, %parallel_loop3A_282 : vector<16xf32>
        %parallel_loop3A_324 = arith.index_cast %parallel_loop3A_196 : i32 to index
        %parallel_loop3A_325 = arith.constant 80 : index
        %parallel_loop3A_326 = tpu.vector_load %arg16[%parallel_loop3A_324, %parallel_loop3A_325] {strides = array<i32>} : memref<128x128xf32, #tpu.memory_space<vmem>>, vector<1x16xf32>,
        %parallel_loop3A_327 = vector.shape_cast %parallel_loop3A_326 : vector<1x16xf32> to vector<16xf32>
        %parallel_loop3A_328 = vector.shape_cast %parallel_loop3A_323 : vector<16xf32> to vector<1x16xf32>
        tpu.vector_store %arg16[%parallel_loop3A_324, %parallel_loop3A_325], %parallel_loop3A_328 {add = true, strides = array<i32>} : memref<128x128xf32, #tpu.memory_space<vmem>>, vector<1x16xf32>,
        %parallel_loop3A_329 = arith.addf %parallel_loop3A_247, %parallel_loop3A_287 : vector<16xf32>
        %parallel_loop3A_330 = arith.index_cast %parallel_loop3A_196 : i32 to index
        %parallel_loop3A_331 = arith.constant 96 : index
        %parallel_loop3A_332 = tpu.vector_load %arg16[%parallel_loop3A_330, %parallel_loop3A_331] {strides = array<i32>} : memref<128x128xf32, #tpu.memory_space<vmem>>, vector<1x16xf32>,
        %parallel_loop3A_333 = vector.shape_cast %parallel_loop3A_332 : vector<1x16xf32> to vector<16xf32>
        %parallel_loop3A_334 = vector.shape_cast %parallel_loop3A_329 : vector<16xf32> to vector<1x16xf32>
        tpu.vector_store %arg16[%parallel_loop3A_330, %parallel_loop3A_331], %parallel_loop3A_334 {add = true, strides = array<i32>} : memref<128x128xf32, #tpu.memory_space<vmem>>, vector<1x16xf32>,
        %parallel_loop3A_335 = arith.addf %parallel_loop3A_252, %parallel_loop3A_292 : vector<16xf32>
        %parallel_loop3A_336 = arith.index_cast %parallel_loop3A_196 : i32 to index
        %parallel_loop3A_337 = arith.constant 112 : index
        %parallel_loop3A_338 = tpu.vector_load %arg16[%parallel_loop3A_336, %parallel_loop3A_337] {strides = array<i32>} : memref<128x128xf32, #tpu.memory_space<vmem>>, vector<1x16xf32>,
        %parallel_loop3A_339 = vector.shape_cast %parallel_loop3A_338 : vector<1x16xf32> to vector<16xf32>
        %parallel_loop3A_340 = vector.shape_cast %parallel_loop3A_335 : vector<16xf32> to vector<1x16xf32>
        tpu.vector_store %arg16[%parallel_loop3A_336, %parallel_loop3A_337], %parallel_loop3A_340 {add = true, strides = array<i32>} : memref<128x128xf32, #tpu.memory_space<vmem>>, vector<1x16xf32>,
      } {sc.loop_unroll_factor = 2 : i64, sc.parallel_access}
      %dma_start3A_192 = arith.constant 0 : i32
      %dma_start3A_193 = tpu.memref_slice %arg9[%add3A_178, %dma_start3A_192] : memref<65536x128xf32, #tpu.memory_space<hbm>> -> memref<128x128xf32, #tpu.memory_space<hbm>>
      %dma_start3A_194 = arith.constant 0 : i32
      %dma_start3A_195 = tpu.memref_slice %arg9[%add3A_178, %dma_start3A_194] : memref<65536x128xf32, #tpu.memory_space<hbm>> -> memref<128x128xf32, #tpu.memory_space<hbm>>
      tpu.enqueue_dma source(%arg16 : memref<128x128xf32, #tpu.memory_space<vmem>>) target(%dma_start3A_195 : memref<128x128xf32, #tpu.memory_space<hbm>>) target_semaphore(%arg20 : memref<!tpu.dma_semaphore, #tpu.memory_space<semaphore_mem>>)
    }
    %scan3A_138 = arith.constant 8 : i32
    %add3A_139 = arith.constant 1792 : i32
    %add3A_140 = arith.addi %mul3A_2, %add3A_139 : i32
    %dma_wait3A_141 = arith.constant 0 : i32
    %dma_wait3A_142 = tpu.memref_slice %arg9[%add3A_140, %dma_wait3A_141] : memref<65536x128xf32, #tpu.memory_space<hbm>> -> memref<128x128xf32, #tpu.memory_space<hbm>>
    %dma_wait3A_143 = arith.constant 0 : i32
    %dma_wait3A_144 = tpu.memref_slice %arg9[%add3A_140, %dma_wait3A_143] : memref<65536x128xf32, #tpu.memory_space<hbm>> -> memref<128x128xf32, #tpu.memory_space<hbm>>
    tpu.wait_dma2 semaphore(%arg19 : memref<!tpu.dma_semaphore, #tpu.memory_space<semaphore_mem>>) src(%arg15 : memref<128x128xf32, #tpu.memory_space<vmem>>) dst(%dma_wait3A_144 : memref<128x128xf32, #tpu.memory_space<hbm>>)
    %add3A_145 = arith.constant 1920 : i32
    %add3A_146 = arith.addi %mul3A_2, %add3A_145 : i32
    %dma_wait3A_147 = arith.constant 0 : i32
    %dma_wait3A_148 = tpu.memref_slice %arg9[%add3A_146, %dma_wait3A_147] : memref<65536x128xf32, #tpu.memory_space<hbm>> -> memref<128x128xf32, #tpu.memory_space<hbm>>
    %dma_wait3A_149 = arith.constant 0 : i32
    %dma_wait3A_150 = tpu.memref_slice %arg9[%add3A_146, %dma_wait3A_149] : memref<65536x128xf32, #tpu.memory_space<hbm>> -> memref<128x128xf32, #tpu.memory_space<hbm>>
    tpu.wait_dma2 semaphore(%arg20 : memref<!tpu.dma_semaphore, #tpu.memory_space<semaphore_mem>>) src(%arg16 : memref<128x128xf32, #tpu.memory_space<vmem>>) dst(%dma_wait3A_150 : memref<128x128xf32, #tpu.memory_space<hbm>>)
    return
  }
}

</mosaic_0001>

<sc_bundles>
// kernel: kernel.3.cloned.1.call-start
scs
__scs_entry_jumppad:
0x0: {  	(pc) =	sbr.rel $0x88, $3  }
0x1: {  	(tag) =	ssettag $0x0;
	lr =	simm.s32 $0x1  }
0x2: {  	[smem:$0x3F98] =	sst lr;
	_ =	strace $0xD0000000  }
0x3: {  	_ = 	snop  }
0x4: {  	_ = 	snop  }
0x5: {  	_ = 	snop  }
0x6: {  	_ = 	snop  }
0x7: {  	_ = 	snop  }
__scs_overlays_trampoline_lowered:
0x8: {  	[smem:$0x3FA7] =	sst s0  }
0x9: {  	[smem:$0x3FA8] =	sst s1  }
0xa: {  	[smem:$0x3FA9] =	sst s2  }
0xb: {  	[smem:$0x3FAA] =	sst s3  }
0xc: {  	[smem:$0x3FAB] =	sst s4  }
0xd: {  	[smem:$0x3FAC] =	sst s5  }
0xe: {  	[smem:$0x3FAD] =	sst s6  }
0xf: {  	[smem:$0x3FAE] =	sst s7  }
0x10: {  	[smem:$0x3FAF] =	sst s8  }
0x11: {  	[smem:$0x3FB0] =	sst s9;
	s0 =	simm.s32 @!p0 $0x0  }
0x12: {  	s1 =	sld [smem:$0x3F96];
	s0 =	simm.s32 @p0 $0x1  }
0x13: {  	[smem:$0x3FB1] =	sst s0;
	s0 =	simm.s32 @!p1 $0x0  }
0x14: {  	s2 =	sld [smem:$0x3F95];
	s0 =	simm.s32 @p1 $0x1  }
0x15: {  	[smem:$0x3FB2] =	sst s0;
	s0 =	simm.s32 @!p2 $0x0  }
0x16: {  	s3 =	sld [smem:$0x3FDB];
	s0 =	simm.s32 @p2 $0x1  }
0x17: {  	s4 =	simm.s32 $0x1BF5;
	[smem:$0x3FB4] =	sst s0  }
0x18: {  	s0 =	sld [smem:$0x3F97];
	_ =	swait.ge [sflag:s4], $0x0  }
0x19: {  	s7 =	sld [smem:$0x3F98]  }
0x1a: {  	s8 =	sadd.s32 $0xFFFFE003, lr  }
0x1b: {  	s9 =	sadd.s32 $0xFFFFFEF7, lr;
	s5 =	simm.s32 $0xFFFFFFFF;
	p2 =	slt.u32 s8, $0xFFFFF086  }
0x1c: {  	p1 =	slt.u32 s9, $0xF7A;
	s5 =	simm.s32 @!p2 $0x0  }
0x1d: {  	s5 =	simm.s32 @p1 $0x1;
	p0 =	seq.s32 s7, s2  }
0x1e: {  	s7 =	smul.u32 @!p0 $0xF7A, s2;
	p2 =	seq.s32 @!p0 s5, $0x0  }
0x1f: {  	s9 =	smul.u32 $0xF7A, s1;
	s8 =	simm.s32 @!p0 $0x1BF5;
	p2 =	por !p2, p0  }
0x20: {  	[sflag:s8] =	ssyncset.s32 @!p0 $0xFFFFF086;
	s6 =	sadd.s32 @!p0 s3, s7;
	s7 =	simm.s32 @!p0 $0x108  }
0x21: {  	s3 =	sadd.s32 s3, s9;
	s6 =	sadd.s32 @!p0 $0x88, s6;
	s7 =	simm.s32 @p2 $0x1082  }
0x22: {  	[simem:s7], [sflag:s8] =	dma.local @!p0 [hbm:s6], $0xF7A  }
0x23: {  	s9 =	sor.u32 $0xD0000000, s2;
	s6 =	simm.s32 $0x108;
	_ =	swait.ge @!p0 [sflag:s8], $0x0  }
0x24: {  	s3 =	sadd.s32 $0x88, s3;
	s6 =	simm.s32 @!p1 $0x1082;
	[sflag:s4] =	ssyncset.s32 $0xFFFFF086  }
0x25: {  	[simem:s6], [sflag:s4] =	dma.local [hbm:s3], $0xF7A  }
0x26: {  	[smem:$0x3F98] =	sst s1;
	(tag) =	ssettag s2;
	_ =	strace s9  }
0x27: {  	s1 =	sld [smem:$0x3FA8]  }
0x28: {  	s2 =	sld [smem:$0x3FA9]  }
0x29: {  	s4 =	sld [smem:$0x3FAB]  }
0x2a: {  	p0 =	seq.s32 s5, $0x0;
	s5 =	sld [smem:$0x3FAC]  }
0x2b: {  	s6 =	sld [smem:$0x3FAD]  }
0x2c: {  	s7 =	sld [smem:$0x3FAE]  }
0x2d: {  	s3 =	simm.s32 $0x108;
	s8 =	sld [smem:$0x3FAF]  }
0x2e: {  	s3 =	simm.s32 @!p0 $0x1082;
	s9 =	sld [smem:$0x3FB0]  }
0x2f: {  	lr =	sadd.s32 s0, s3;
	s0 =	sld [smem:$0x3FA7]  }
0x30: {  	s3 =	sld [smem:$0x3FAA]  }
0x31: {  	[smem:$0x3FB3] =	sst s10  }
0x32: {  	s10 =	sld [smem:$0x3FB1];
	_ =	sdelay $0x3  }
0x33: {  	p0 =	seq.s32 s10, $0x1;
	s10 =	sld [smem:$0x3FB3];
	_ =	sdelay $0x3  }
0x34: {  	[smem:$0x3FB3] =	sst s10  }
0x35: {  	s10 =	sld [smem:$0x3FB2];
	_ =	sdelay $0x3  }
0x36: {  	p1 =	seq.s32 s10, $0x1;
	s10 =	sld [smem:$0x3FB3];
	_ =	sdelay $0x3  }
0x37: {  	[smem:$0x3FB3] =	sst s10  }
0x38: {  	s10 =	sld [smem:$0x3FB4]  }
0x39: {  	_ = 	snop;
	(pc) =	sbr.ind lr, $3  }
0x3a: {  	_ = 	snop  }
0x3b: {  	_ = 	snop  }
0x3c: {  	p2 =	seq.s32 s10, $0x1;
	s10 =	sld [smem:$0x3FB3]  }
0x3d: {  	_ =	shalt  }
0x3e: {  	_ =	shalt  }
0x3f: {  	_ =	shalt  }
0x40: {  	_ =	shalt  }
0x41: {  	_ =	shalt  }
0x42: {  	_ =	shalt  }
0x43: {  	_ =	shalt  }
0x44: {  	_ =	shalt  }
0x45: {  	_ =	shalt  }
0x46: {  	_ =	shalt  }
0x47: {  	_ =	shalt  }
0x48: {  	_ =	shalt  }
0x49: {  	_ =	shalt  }
0x4a: {  	_ =	shalt  }
0x4b: {  	_ =	shalt  }
0x4c: {  	_ =	shalt  }
0x4d: {  	_ =	shalt  }
0x4e: {  	_ =	shalt  }
0x4f: {  	_ =	shalt  }
0x50: {  	_ =	shalt  }
0x51: {  	_ =	shalt  }
0x52: {  	_ =	shalt  }
0x53: {  	_ =	shalt  }
0x54: {  	_ =	shalt  }
0x55: {  	_ =	shalt  }
0x56: {  	_ =	shalt  }
0x57: {  	_ =	shalt  }
0x58: {  	_ =	shalt  }
0x59: {  	_ =	shalt  }
0x5a: {  	_ =	shalt  }
0x5b: {  	_ =	shalt  }
0x5c: {  	_ =	shalt  }
0x5d: {  	_ =	shalt  }
0x5e: {  	_ =	shalt  }
0x5f: {  	_ =	shalt  }
0x60: {  	_ =	shalt  }
0x61: {  	_ =	shalt  }
0x62: {  	_ =	shalt  }
0x63: {  	_ =	shalt  }
0x64: {  	_ =	shalt  }
0x65: {  	_ =	shalt  }
0x66: {  	_ =	shalt  }
0x67: {  	_ =	shalt  }
0x68: {  	_ =	shalt  }
0x69: {  	_ =	shalt  }
0x6a: {  	_ =	shalt  }
0x6b: {  	_ =	shalt  }
0x6c: {  	_ =	shalt  }
0x6d: {  	_ =	shalt  }
0x6e: {  	_ =	shalt  }
0x6f: {  	_ =	shalt  }
0x70: {  	_ =	shalt  }
0x71: {  	_ =	shalt  }
0x72: {  	_ =	shalt  }
0x73: {  	_ =	shalt  }
0x74: {  	_ =	shalt  }
0x75: {  	_ =	shalt  }
0x76: {  	_ =	shalt  }
0x77: {  	_ =	shalt  }
0x78: {  	_ =	shalt  }
0x79: {  	_ =	shalt  }
0x7a: {  	_ =	shalt  }
0x7b: {  	_ =	shalt  }
0x7c: {  	_ =	shalt  }
0x7d: {  	_ =	shalt  }
0x7e: {  	_ =	shalt  }
0x7f: {  	_ =	shalt  }
0x80: {  	_ =	shalt  }
0x81: {  	_ =	shalt  }
0x82: {  	_ =	shalt  }
0x83: {  	_ =	shalt  }
0x84: {  	_ =	shalt  }
0x85: {  	_ =	shalt  }
0x86: {  	_ =	shalt  }
0x87: {  	_ =	shalt  }
.Lfunc_end0:
.L_simem_size_0:
called_computation_lowered:
.L_overlay_start_0:
0x88: {  	s2 =	sld [smem:$0x3FD9]  }
0x89: {  	s3 =	sld [smem:$0x3FFE];
	_ =	sdelay $0x1  }
0x8a: {  	s1 =	srdreg.scid  }
0x8b: {  	s0 =	sand.u32 $0x1, s1  }
0x8c: {  	s17 =	sshll.u32 s0, $0xA;
	s2 =	sadd.s32 s3, s2  }
0x8d: {  	s2 =	sadd.s32 s2, s17  }
0x8e: {  	[smem:$0x3FBF] =	sst s2  }
0x8f: {  	_ = 	snop  }
0x90: {  	s2 =	sld [smem:$0x3FC5]  }
0x91: {  	s18 =	sld [smem:$0x3FC4]  }
0x92: {  	s4 =	sld [smem:$0x3FC3]  }
0x93: {  	s5 =	sld [smem:$0x3FD0];
	(tm) =	ssettm $0x1  }
0x94: {  	s6 =	sld [smem:$0x3FFB];
	_ =	sdelay $0x3  }
0x95: {  	_ =	strace s6  }
0x96: {  	s6 =	sld [smem:$0x3FFC];
	_ =	sdelay $0x3  }
0x97: {  	_ =	strace s6  }
0x98: {  	s6 =	sld [smem:$0x3FFD];
	_ =	sdelay $0x3  }
0x99: {  	_ =	strace s6  }
0x9a: {  	_ =	strace $0x8FFFFFFF  }
0x9b: {  	s19 =	sld [smem:$0x3FDB];
	_ =	sdelay $0x1  }
0x9c: {  	s7 =	simm.s32 $_scs_section_size  }
0x9d: {  	s8 =	simm.s32 $_size__tile_overlayer_lowered;
	s9 =	simm.s32 $_tile_overlayer_lowered  }
0x9e: {  	s22 =	simm.s32 $0x1BFF;
	s21 =	sshll.u32 s9, $0x1;
	s6 =	sadd.s32 s7, s19  }
0x9f: {  	s10 =	simm.s32 $0x0;
	s20 =	sshll.u32 s8, $0x1;
	s8 =	sadd.s32 s21, s6  }
0xa0: {  	[timem:s10], [sflag:s22] =	dma.local [hbm:s8], s20  }
0xa1: {  	_ =	swait.ge [sflag:s22], s20  }
0xa2: {  	s7 =	ssub.s32 $0x0, s20;
	[sflag:s22] =	ssyncset.done $0x0  }
0xa3: {  	[sflag:s22] =	ssyncadd.s32 s7;
	_ =	sdelay $0x1  }
0xa4: {  	s23 =	simm.s32 $0x1B8B  }
0xa5: {  	_ =	swait.ge [sflag:s23], $0x1  }
0xa6: {  	[sflag:s23] =	ssyncset.done $0x0  }
0xa7: {  	s25 =	simm.s32 $0x1B8E;
	s24 =	sld [smem:$0x3FFE];
	[sflag:s23] =	ssyncadd.s32 $0xFFFFFFFF  }
0xa8: {  	s26 =	simm.s32 $execute0_lowered;
	[smem:$0x3FD2] =	sst s25  }
0xa9: {  	s8 =	sshll.u32 s26, $0x1;
	_ =	strace $0x80000046;
	[dreg:$0x1] =	wrdreg $0xFFFFFFFF  }
0xaa: {  	s28 =	simm.s32 $_size_execute0_lowered;
	s6 =	sadd.s32 s6, s8;
	[dreg:$0x0] =	wrdreg $0x0  }
0xab: {  	s8 =	sshll.u32 s28, $0x1;
	[dreg:$0x2] =	wrdreg s6  }
0xac: {  	[dreg:$0x3] =	wrdreg s8  }
0xad: {  	[dreg:$0x4] =	wrdreg $0xC0  }
0xae: {  	_ =	task [dreg:s10], $0x5FFFF  }
0xaf: {  	[dreg:$0x1] =	wrdreg $0xFFFFFFFF  }
0xb0: {  	[dreg:$0x0] =	wrdreg $0x60  }
0xb1: {  	[dreg:$0x2] =	wrdreg s24  }
0xb2: {  	[dreg:$0x3] =	wrdreg s2  }
0xb3: {  	[dreg:$0x4] =	wrdreg s18  }
0xb4: {  	[dreg:$0x5] =	wrdreg s4  }
0xb5: {  	[dreg:$0x6] =	wrdreg s5  }
0xb6: {  	[dreg:$0x7] =	wrdreg $0x9  }
0xb7: {  	_ =	task.clear_ibuf [dreg:s10], $0x8FFFF;
	_ =	strace $0x90000046  }
0xb8: {  	s29 =	simm.s32 $0x9;
	_ =	strace $0x80000048  }
0xb9: {  	_ =	swait.ge [sflag:s29], $0x1  }
0xba: {  	[sflag:s29] =	ssyncadd.s32 $0xFFFFFFFF  }
0xbb: {  	_ =	strace $0x90000048  }
0xbc: {  	_ =	sfence  }
0xbd: {  	s30 =	sld [smem:$0x0];
	_ =	sdelay $0x2  }
0xbe: {  	s31 =	sshll.u32 s1, $0xD;
	s1 =	sshrl.u32 s1, $0x2  }
0xbf: {  	s3 =	sand.u32 $0x4000, s31;
	s1 =	sadd.s32 s1, s30  }
0xc0: {  	s0 =	sor.u32 s3, s0;
	s1 =	sshll.u32 s1, $0x11  }
0xc1: {  	s0 =	sor.u32 s1, s0  }
0xc2: {  	s0 =	sadd.s32 $0x8F2B, s0  }
0xc3: {  	[sflag:s0] =	ssyncadd.remote.s32 $0x1  }
0xc4: {  	_ =	sfence.sel $0xFFFF  }
0xc5: {  	[dreg:$0x0] =	wrdreg $0xFFFFFFFF;
	(pc) =	sbr.abs _section_cstart, $3  }
0xc6: {  	[dreg:$0x1] =	wrdreg $0xFFFFFFFF  }
0xc7: {  	_ =	task.clear_ibuf [dreg:s10], $0x2FFFF;
	_ =	strace $0x9FFFFFFF  }
0xc8: {  	(tm) =	ssettm $0x7FFFFFFF  }
0xc9: {  	_ =	shalt  }
tec
execute0_lowered:
.L_overlay_start_1:
0x0: {  	(tag) =	ssettag $0x1  }
0x1: {  	s0 =	rddreg [dreg:$0x0];
	s1 =	srdreg.scid  }
0x2: {  	s2 =	stileid.u32;
	s5 =	rddreg [dreg:$0x4];
	s6 =	simm.s32 $0x0  }
0x3: {  	s19 =	simm.s32 $0x16980;
	s20 =	simm.s32 $0x1A980;
	s21 =	simm.s32 $0x1  }
0x4: {  	s22 =	simm.s32 $0x2;
	s1 =	sand.u32 $0x1, s1;
	s2 =	sshll.u32 s2, $0x1  }
0x5: {  	s23 =	simm.s32 $0x0;
	[smem:$0x7FF] =	sst s6;
	s2 =	sor.u32 s1, s2  }
0x6: {  	s1 =	ssub.s32 $0x2, s1;
	s3 =	smul.u32 $0x300, s2;
	s4 =	sshll.u32 s2, $0x8  }
0x7: {  	_ =	strace $0x80000047;
	s8 =	sshrl.u32 s1, $0x1;
	s4 =	sadd.s32 s4, s0  }
0x8: {  	s31 =	ssub.s32 s1, s8;
	s8 =	sshll.u32 s2, $0xB;
	s3 =	sadd.s32 s3, s0  }
0x9: {  	s0 =	sadd.s32 $0xA800, s0;
	s9 =	sadd.s32 $0x800, s4;
	s10 =	sadd.s32 $0x2800, s4  }
0xa: {  	v63 =	vimm.s32 $0x0;
	v57 =	vimm.s32 $0x1;
	v15 =	vimm.s32 $0x2;
	s12 =	smax.u32 s31, $0x1;
	[dreg:$0x6] =	wrdreg s0;
	s11 =	sadd.s32 $0x4800, s3  }
.LBB2_1:
0xb: {  	s0 =	rddreg [dreg:$0x1];
	s1 =	simm.s32 $0x1E980  }
0xc: {  	[tilespmem:s1], [sflag:$0x1] =	stream.linear.gather [hbm4b:s0+s6], $0x180, $0x38;
	[tilespmem:$0x1EB80] =	vst v63  }
0xd: {  	s14 =	rddreg [dreg:$0x2];
	s15 =	simm.s32 $0x1EB00  }
0xe: {  	[tilespmem:s15], [sflag:$0x1] =	stream.linear.gather [hbm4b:s14+s6], $0x80, $0x38;
	[tilespmem:$0x1EB80] =	vst v63  }
0xf: {  	s16 =	rddreg [dreg:$0x3];
	s17 =	simm.s32 $0x2980  }
0x10: {  	[tilespmem:s17], [sflag:$0x1] =	stream.linear.gather [hbm4b:s16+s6], $0x4000, $0x38;
	[tilespmem:$0x1EB80] =	vst v63  }
0x11: {  	s18 =	rddreg [dreg:$0x6];
	s24 =	simm.s32 $0x6980  }
0x12: {  	[tilespmem:s24], [sflag:$0x1] =	stream.linear.gather [hbm4b:s18+s6], $0x10000, $0x38;
	[tilespmem:$0x1EB80] =	vst v63  }
0x13: {  	_ = 	snop  }
0x14: {  	[tilespmem:s6], [sflag:$0x1] =	stream.linear.gather [hbm4b:s9+s6], $0x800, $0x38;
	[tilespmem:$0x1EB80] =	vst v63  }
0x15: {  	s25 =	simm.s32 $0x880  }
0x16: {  	[tilespmem:s25], [sflag:$0x1] =	stream.linear.gather [hbm4b:s10+s6], $0x800, $0x38;
	[tilespmem:$0x1EB80] =	vst v63  }
0x17: {  	s26 =	simm.s32 $0x1100  }
0x18: {  	[tilespmem:s26], [sflag:$0x1] =	stream.linear.gather [hbm4b:s11+s6], $0x1800, $0x38;
	[tilespmem:$0x1EB80] =	vst v63  }
0x19: {  	_ =	swait.ge [sflag:s21], $0x180  }
0x1a: {  	[sflag:s21] =	ssyncset.done $0x0  }
0x1b: {  	[sflag:s21] =	ssyncadd.s32 $0xFFFFFE80  }
0x1c: {  	_ =	swait.ge [sflag:s21], $0x80  }
0x1d: {  	[sflag:s21] =	ssyncset.done $0x0  }
0x1e: {  	[sflag:s21] =	ssyncadd.s32 $0xFFFFFF80  }
0x1f: {  	_ =	swait.ge [sflag:s21], $0x4000  }
0x20: {  	[sflag:s21] =	ssyncset.done $0x0  }
0x21: {  	[sflag:s21] =	ssyncadd.s32 $0xFFFFC000  }
0x22: {  	_ =	swait.ge [sflag:s21], $0x10000  }
0x23: {  	[sflag:s21] =	ssyncset.done $0x0  }
0x24: {  	[sflag:s21] =	ssyncadd.s32 $0xFFFF0000  }
0x25: {  	_ =	swait.ge [sflag:s21], $0x800  }
0x26: {  	[sflag:s21] =	ssyncset.done $0x0  }
0x27: {  	[sflag:s21] =	ssyncadd.s32 $0xFFFFF800  }
0x28: {  	_ =	swait.ge [sflag:s21], $0x800  }
0x29: {  	[sflag:s21] =	ssyncset.done $0x0  }
0x2a: {  	[sflag:s21] =	ssyncadd.s32 $0xFFFFF800  }
0x2b: {  	_ =	swait.ge [sflag:s21], $0x1800  }
0x2c: {  	[sflag:s21] =	ssyncset.done $0x0  }
0x2d: {  	[sflag:s21] =	ssyncadd.s32 $0xFFFFE800  }
0x2e: {  	v58 =	vld [tilespmem:$0x1E980]  }
0x2f: {  	v60 =	vld [tilespmem:$0x1EAC0]  }
0x30: {  	v0 =	vld [tilespmem:$0x1EAD0]  }
0x31: {  	v1 =	vld [tilespmem:$0x1EAF0]  }
0x32: {  	v62 =	vld [tilespmem:$0x1EB00]  }
0x33: {  	v19 =	vld [tilespmem:$0x1EB10];
	[tilespmem:$0x1FE00] =	vst v58  }
0x34: {  	v2 =	vld [tilespmem:$0x1EB20];
	[tilespmem:$0x1FE10] =	vst v60  }
0x35: {  	v8 =	vld [tilespmem:$0x1EB30];
	[tilespmem:$0x1FE20] =	vst v0  }
0x36: {  	v21 =	vld [tilespmem:$0x1EB40];
	[tilespmem:$0x1FE30] =	vst v1  }
0x37: {  	v3 =	vld [tilespmem:$0x1EB50];
	[tilespmem:$0x1FE40] =	vst v62  }
0x38: {  	v4 =	vld [tilespmem:$0x1EB60];
	[tilespmem:$0x1FE50] =	vst v19  }
0x39: {  	v7 =	vld [tilespmem:$0x1EA70];
	[tilespmem:$0x1FE60] =	vst v2  }
0x3a: {  	v5 =	vld [tilespmem:$0x1EB70];
	[tilespmem:$0x1FE70] =	vst v8  }
0x3b: {  	v6 =	vld [tilespmem:$0x1EAA0];
	[tilespmem:$0x1FE80] =	vst v21  }
0x3c: {  	v59 =	vld [tilespmem:$0x1E9F0];
	[tilespmem:$0x1FE90] =	vst v3  }
0x3d: {  	v32 =	vld [tilespmem:$0x1EA20];
	[tilespmem:$0x1FEA0] =	vst v4  }
0x3e: {  	v31 =	vld [tilespmem:$0x1EA50];
	[tilespmem:$0x1FEB0] =	vst v7  }
0x3f: {  	v26 =	vld [tilespmem:$0x1EA10];
	[tilespmem:$0x1FEC0] =	vst v5  }
0x40: {  	v22 =	vld [tilespmem:$0x1E9D0];
	[tilespmem:$0x1FED0] =	vst v6  }
0x41: {  	v17 =	vld [tilespmem:$0x1EA40];
	[tilespmem:$0x1FEE0] =	vst v59  }
0x42: {  	v29 =	vld [tilespmem:$0x1E9C0];
	[tilespmem:$0x1FEF0] =	vst v32  }
0x43: {  	v27 =	vld [tilespmem:$0x1E9E0];
	[tilespmem:$0x1FF00] =	vst v31  }
0x44: {  	v34 =	vld [tilespmem:$0x1E9B0];
	[tilespmem:$0x1FF10] =	vst v26  }
0x45: {  	v28 =	vld [tilespmem:$0x1EA30];
	[tilespmem:$0x1FF20] =	vst v22  }
0x46: {  	v20 =	vld [tilespmem:$0x1E990];
	[tilespmem:$0x1FF30] =	vst v17  }
0x47: {  	v24 =	vld [tilespmem:$0x1EA00];
	[tilespmem:$0x1FF40] =	vst v29  }
0x48: {  	v33 =	vld [tilespmem:$0x1EA90];
	[tilespmem:$0x1FF50] =	vst v27  }
0x49: {  	v25 =	vld [tilespmem:$0x1EAE0];
	[tilespmem:$0x1FF60] =	vst v34  }
0x4a: {  	v30 =	vld [tilespmem:$0x1E9A0];
	[tilespmem:$0x1FF70] =	vst v28  }
0x4b: {  	v16 =	vld [tilespmem:$0x1EA60];
	[tilespmem:$0x1FF80] =	vst v20  }
0x4c: {  	v18 =	vld [tilespmem:$0x1EAB0];
	[tilespmem:$0x1FF90] =	vst v24  }
0x4d: {  	v61 =	vld [tilespmem:$0x1EA80];
	[tilespmem:$0x1FFA0] =	vst v33  }
0x4e: {  	[tilespmem:$0x1FFB0] =	vst v25  }
0x4f: {  	[tilespmem:$0x1FFC0] =	vst v30  }
0x50: {  	s28 =	simm.s32 $0x1283;
	s29 =	simm.s32 $0x81;
	s30 =	simm.s32 $0x901;
	[tilespmem:$0x1FFD0] =	vst v16  }
0x51: {  	s31 =	simm.s32 $0x1;
	s3 =	simm.s32 $0x0;
	s0 =	simm.s32 $0x0;
	[tilespmem:$0x1FFE0] =	vst v18  }
0x52: {  	s24 =	simm.s32 $0x1103;
	s25 =	simm.s32 $0x881;
	s26 =	simm.s32 $0x180;
	[tilespmem:$0x1FFF0] =	vst v61  }
.LBB2_2:
0x53: {  	p0 =	seq.s32 s0, $0x0  }
0x54: {  	s1 =	simm.s32 @!p0 $0x1  }
0x55: {  	_ =	swait.ge @!p0 [sflag:s1], $0x4000  }
0x56: {  	[sflag:s1] =	ssyncset.done @!p0 $0x0  }
0x57: {  	s18 =	simm.s32 $0x0;
	s2 =	sadd.s32 $0x0, s3;
	[sflag:s1] =	ssyncadd.s32 @!p0 $0xFFFFC000  }
0x58: {  	s2 =	sand.u32 $0x3F80, s2;
	s1 =	sand.u32 $0x7E, s18;
	v35 =	vld [tilespmem:s24+$0x0]  }
0x59: {  	s1 =	sor.u32 s1, s2  }
0x5a: {  	v36 =	vld [tilespmem:s1+$0x1100];
	_ =	sdelay $0x2  }
0x5b: {  	v39 =	vperm.xlane v35, v63  }
0x5c: {  	v50 =	vperm.xlane v35, v15;
	v42 =	vperm.xlane v35, v57  }
0x5d: {  	v51 =	vperm.xlane v36, v63;
	v38 =	vperm.xlane v36, v15  }
0x5e: {  	v54 =	vperm.xlane v36, v57;
	v37 =	vmul.f32 v39, v58  }
0x5f: {  	v40 =	vmul.f32 v50, v60;
	v45 =	vmul.f32 v42, v28  }
0x60: {  	v9 =	vmul.f32 v39, v27;
	v10 =	vmul.f32 v42, v24  }
0x61: {  	v53 =	vmul.f32 v39, v34;
	v41 =	vmul.f32 v51, v58  }
0x62: {  	v58 =	vmul.f32 v51, v29;
	v43 =	vmul.f32 v51, v27  }
0x63: {  	v49 =	vmul.f32 v38, v60;
	v47 =	vmul.f32 v38, v61  }
0x64: {  	v48 =	vmul.f32 v51, v20;
	v55 =	vmul.f32 v38, v25;
	v23 =	vadd.f32 v37, v62  }
0x65: {  	v56 =	vmul.f32 v38, v33;
	v11 =	vadd.f32 v53, v8;
	v37 =	vadd.f32 v9, v4  }
0x66: {  	v53 =	vmul.f32 v42, v16;
	v9 =	vmul.f32 v54, v31;
	v44 =	vadd.f32 v41, v62  }
0x67: {  	v62 =	vmul.f32 v51, v34;
	v46 =	vadd.f32 v58, v21;
	v52 =	vadd.f32 v43, v4  }
0x68: {  	v36 =	vadd.f32 v48, v19;
	v43 =	vmul.f32 v39, v30;
	v34 =	vmul.f32 v50, v18  }
0x69: {  	v18 =	vmul.f32 v38, v18;
	v58 =	vmul.f32 v38, v1;
	v57 =	vadd.f32 v10, v23  }
0x6a: {  	v23 =	vmul.f32 v39, v29;
	v35 =	vadd.f32 v45, v11;
	v10 =	vmul.f32 v42, v17  }
0x6b: {  	v11 =	vmul.f32 v39, v20;
	v53 =	vadd.f32 v53, v37;
	v41 =	vadd.f32 v62, v8  }
0x6c: {  	v20 =	vmul.f32 v51, v22;
	v48 =	vadd.f32 v23, v21;
	v35 =	vadd.f32 v34, v35  }
0x6d: {  	v21 =	vmul.f32 v54, v28;
	v23 =	vadd.f32 v11, v19;
	v34 =	vmul.f32 v42, v26  }
0x6e: {  	v60 =	vadd.f32 v20, v3;
	v11 =	vmul.f32 v50, v33;
	v19 =	vmul.f32 v54, v24  }
0x6f: {  	v20 =	vadd.f32 v43, v2;
	v24 =	vmul.f32 v42, v32;
	v48 =	vadd.f32 v10, v48  }
0x70: {  	v8 =	vmovc v59;
	v33 =	vmul.f32 v50, v6;
	v45 =	vadd.f32 v21, v41;
	v10 =	vadd.f32 v34, v23  }
0x71: {  	v60 =	vadd.f32 v9, v60;
	v21 =	vmul.f32 v54, v26;
	v26 =	vmul.f32 v39, v8  }
0x72: {  	v44 =	vadd.f32 v19, v44;
	v34 =	vmul.f32 v42, v7;
	v19 =	vmul.f32 v51, v8  }
0x73: {  	v39 =	vmul.f32 v39, v22;
	v41 =	vadd.f32 v11, v10;
	v37 =	vadd.f32 v40, v48  }
0x74: {  	v42 =	vmul.f32 v42, v31;
	v43 =	vadd.f32 v18, v45;
	v48 =	vadd.f32 v47, v44  }
0x75: {  	v51 =	vmul.f32 v51, v30;
	v36 =	vadd.f32 v21, v36;
	v45 =	vadd.f32 v24, v20  }
0x76: {  	v62 =	vadd.f32 v26, v5;
	v10 =	vmul.f32 v54, v17;
	v39 =	vadd.f32 v39, v3  }
0x77: {  	v11 =	vmul.f32 v38, v0;
	v51 =	vadd.f32 v51, v2;
	v23 =	vsub.f32 $0.0e+00, v41  }
0x78: {  	v20 =	vmul.f32 v54, v7;
	v47 =	vadd.f32 v56, v36;
	v9 =	vsub.f32 $0.0e+00, v48  }
0x79: {  	v21 =	vmul.f32 v50, v1;
	v45 =	vadd.f32 v33, v45;
	v18 =	vadd.f32 v34, v62  }
0x7a: {  	v26 =	vmul.f32 v50, v0;
	v46 =	vadd.f32 v10, v46;
	v36 =	vadd.f32 v11, v60  }
0x7b: {  	v24 =	vsub.f32 $0.0e+00, v43;
	v39 =	vadd.f32 v42, v39;
	v62 =	vmul.f32 v54, v16  }
0x7c: {  	v33 =	vsub.f32 $0.0e+00, v35;
	v54 =	vmul.f32 v54, v32;
	v40 =	vmul.f32 $1.442695020e+00, v23  }
0x7d: {  	v44 =	vmul.f32 $1.442695020e+00, v9;
	v22 =	vsub.f32 $0.0e+00, v47;
	v23 =	vadd.f32 v19, v5  }
0x7e: {  	v46 =	vadd.f32 v49, v46;
	v59 =	vmul.f32 $1.442695020e+00, v24;
	(erf) = vpow2.f32 v40  }
0x7f: {  	v49 =	vadd.f32 v26, v39;
	v1 =	vmul.f32 $1.442695020e+00, v33;
	(erf) = vpow2.f32 v44  }
0x80: {  	v14 =	vmovc v61;
	v52 =	vadd.f32 v62, v52;
	v40 =	vadd.f32 v21, v18;
	v44 =	vmul.f32 $1.442695020e+00, v22  }
0x81: {  	v8 =	vsub.f32 $0.0e+00, v45;
	v9 =	vmul.f32 v50, v14;
	v50 =	vmul.f32 v50, v25  }
0x82: {  	v33 =	vsub.f32 $0.0e+00, v37;
	v34 =	vsub.f32 $0.0e+00, v40;
	(erf) = vpow2.f32 v44  }
0x83: {  	v24 =	vmul.f32 v38, v6;
	v51 =	vadd.f32 v54, v51;
	v0 =	vadd.f32 v20, v23  }
0x84: {  	v3 =	vsub.f32 $0.0e+00, v49;
	v44 =	vmul.f32 $1.442695020e+00, v34;
	(erf) = vpow2.f32 v59  }
0x85: {  	v7 =	vsub.f32 $0.0e+00, v46;
	v42 =	vadd.f32 v55, v52;
	v11 =	vmul.f32 $1.442695020e+00, v8  }
0x86: {  	v38 =	vadd.f32 v50, v53;
	v59 =	vmul.f32 $1.442695020e+00, v3;
	(erf) = vpow2.f32 v44  }
0x87: {  	v22 =	vsub.f32 $0.0e+00, v36;
	v44 =	vadd.f32 v9, v57;
	(erf) = vpow2.f32 v1;
	v10 =	vpop (erf)  }
0x88: {  	v39 =	vadd.f32 v58, v0;
	v19 =	vmul.f32 $1.442695020e+00, v7;
	(erf) = vpow2.f32 v59;
	v18 =	vpop (erf)  }
0x89: {  	v21 =	vsub.f32 $0.0e+00, v44;
	(erf) = vpow2.f32 v11;
	v20 =	vadd.f32 $1.000000000e+00, v18  }
0x8a: {  	v25 =	vmul.f32 $1.442695020e+00, v22;
	v52 =	vadd.f32 $1.000000000e+00, v10;
	(erf) = vpow2.f32 v19  }
0x8b: {  	v32 =	vsub.f32 $0.0e+00, v42;
	v56 =	vmul.f32 $1.442695020e+00, v21;
	v23 =	vpop (erf);
	(erf) = vrcp.f32 v20  }
0x8c: {  	v26 =	vsub.f32 $0.0e+00, v39;
	(erf) = vrcp.f32 v52;
	v52 =	vadd.f32 $1.000000000e+00, v23  }
0x8d: {  	v60 =	vsub.f32 $0.0e+00, v38;
	v54 =	vmul.f32 $1.442695020e+00, v32;
	v34 =	vpop (erf);
	(erf) = vpow2.f32 v56  }
0x8e: {  	s4 =	simm.s32 $0x16A00;
	s14 =	simm.s32 $0x0;
	v29 =	vmovc v5;
	v30 =	vmovc v4;
	v53 =	vmul.f32 $1.442695020e+00, v26;
	v61 =	vadd.f32 $1.000000000e+00, v34;
	(erf) = vrcp.f32 v52  }
0x8f: {  	s15 =	simm.s32 $0x6;
	s16 =	sadd.s32 $0x6, s24;
	s1 =	sshll.u32 s0, $0x8;
	v50 =	vadd.f32 v24, v51;
	v62 =	vpop (erf);
	v56 =	vmul.f32 $1.442695020e+00, v33;
	(erf) = vpow2.f32 v25  }
0x90: {  	s17 =	simm.s32 $0x16A00;
	s13 =	simm.s32 $0x16A00;
	s2 =	sadd.s32 s8, s1;
	v55 =	vadd.f32 $1.000000000e+00, v62;
	v52 =	vmul.f32 $1.442695020e+00, v60;
	v51 =	vpop (erf);
	(erf) = vrcp.f32 v61  }
.LBB2_3:
0x91: {  	v57 =	vld [tilespmem:s16+$0x0]  }
0x92: {  	v2 =	vld [tilespmem:$0x1FE00]  }
0x93: {  	v21 =	vpop (erf);
	v7 =	vld [tilespmem:$0x1FE40]  }
0x94: {  	s18 =	sadd.s32 s15, s3;
	v11 =	vld [tilespmem:$0x1FE10];
	(erf) = vpow2.f32 v56;
	v58 =	vsub.f32 $0.0e+00, v50;
	v59 =	vpop (erf)  }
0x95: {  	s7 =	sand.u32 $0x7E, s15;
	v14 =	vld [tilespmem:$0x1FFC0];
	s18 =	sand.u32 $0x3F80, s18;
	v56 =	vadd.f32 $1.000000000e+00, v21;
	(erf) = vpow2.f32 v52;
	v23 =	vpop (erf)  }
0x96: {  	v27 =	vld [tilespmem:$0x1FF40];
	s7 =	sor.u32 s7, s18;
	v22 =	vadd.f32 $1.000000000e+00, v59;
	(erf) = vpow2.f32 v54;
	v58 =	vmul.f32 $1.442695020e+00, v58;
	v24 =	vpop (erf)  }
0x97: {  	v60 =	vld [tilespmem:s7+$0x1100];
	v59 =	vadd.f32 $1.000000000e+00, v23;
	(erf) = vpow2.f32 v53;
	v0 =	vmul.f32 v24, v48  }
0x98: {  	v17 =	vld [tilespmem:$0x1FED0];
	v61 =	vpop (erf);
	(erf) = vrcp.f32 v56;
	v54 =	vperm.xlane v57, v63  }
0x99: {  	v20 =	vld [tilespmem:$0x1FE30];
	v25 =	vpop (erf);
	v53 =	vperm.xlane v57, v15;
	(erf) = vrcp.f32 v59  }
0x9a: {  	v33 =	vimm.s32 $0x0;
	v23 =	vld [tilespmem:$0x1FE70];
	v41 =	vmul.f32 v61, v41;
	v26 =	vpop (erf);
	(erf) = vrcp.f32 v22  }
0x9b: {  	v12 =	vimm.s32 $0x1;
	v3 =	vmul.f32 v54, v2;
	v62 =	vmul.f32 v26, v47;
	v22 =	vld [tilespmem:$0x1FE80]  }
0x9c: {  	v56 =	vadd.f32 $1.000000000e+00, v25;
	v32 =	vpop (erf);
	v63 =	vperm.xlane v60, v33;
	v48 =	vperm.xlane v60, v15;
	v15 =	vld [tilespmem:$0x1FF60]  }
0x9d: {  	[tilespmem:s13+$0xFFFFFF80] =	vst v0;
	v47 =	vmul.f32 v53, v11;
	(erf) = vpow2.f32 v58;
	v0 =	vadd.f32 $1.000000000e+00, v32;
	v34 =	vpop (erf);
	v32 =	vld [tilespmem:$0x1FF70]  }
0x9e: {  	v58 =	vperm.xlane v57, v12;
	v33 =	vld [tilespmem:$0x1FF80];
	v9 =	vpop (erf);
	v10 =	vmul.f32 v63, v2  }
0x9f: {  	v1 =	vadd.f32 v3, v7;
	v2 =	vmul.f32 v34, v43;
	v18 =	vmul.f32 v63, v14;
	v34 =	vld [tilespmem:$0x1FE60];
	v4 =	vpop (erf)  }
0xa0: {  	v19 =	vmul.f32 v63, v27;
	v52 =	vmul.f32 v48, v17;
	v6 =	vpop (erf);
	v43 =	vadd.f32 v10, v7;
	v10 =	vld [tilespmem:$0x1FF50]  }
0xa1: {  	v21 =	vld [tilespmem:$0x1FE50];
	v3 =	vadd.f32 $1.000000000e+00, v51;
	[tilespmem:s13+$0xFFFFFF90] =	vst v62;
	v62 =	vmul.f32 v48, v20;
	(erf) = vrcp.f32 v56;
	v56 =	vpop (erf)  }
0xa2: {  	v16 =	vld [tilespmem:$0x1FFA0];
	v5 =	vadd.f32 $1.000000000e+00, v9;
	v25 =	vmul.f32 v63, v15;
	v8 =	vmul.f32 v58, v32;
	v24 =	vpop (erf)  }
0xa3: {  	v59 =	vadd.f32 v19, v22;
	v19 =	vmul.f32 v63, v33;
	v13 =	vmul.f32 v24, v49;
	v24 =	vld [tilespmem:$0x1FFF0]  }
0xa4: {  	v9 =	vadd.f32 $1.000000000e+00, v56;
	v26 =	vpop (erf);
	v7 =	vadd.f32 v25, v23;
	v49 =	vmul.f32 v48, v11;
	v25 =	vld [tilespmem:$0x1FF90]  }
0xa5: {  	[tilespmem:s13+$0x10] =	vst v41;
	v51 =	vadd.f32 v18, v34;
	v41 =	vpop (erf);
	v46 =	vmul.f32 v26, v46;
	v61 =	vmul.f32 v63, v10  }
0xa6: {  	v45 =	vmul.f32 v41, v45;
	v18 =	vpop (erf);
	(erf) = vrcp.f32 v5;
	v5 =	vadd.f32 v19, v21;
	v19 =	vld [tilespmem:$0x1FFE0]  }
0xa7: {  	v10 =	vmul.f32 v54, v10;
	v41 =	vadd.f32 $1.000000000e+00, v18;
	(erf) = vrcp.f32 v55;
	v18 =	vld [tilespmem:$0x1FFB0]  }
0xa8: {  	v31 =	vld [tilespmem:$0x1FEB0];
	[tilespmem:s13+$0x50] =	vst v13;
	v13 =	vmul.f32 v48, v16;
	v56 =	vadd.f32 v61, v30;
	v61 =	vperm.xlane v60, v12  }
0xa9: {  	v11 =	vmul.f32 v48, v24;
	v26 =	vmul.f32 v58, v25  }
0xaa: {  	v28 =	vld [tilespmem:$0x1FEE0];
	v6 =	vadd.f32 $1.000000000e+00, v6;
	v12 =	vpop (erf);
	(erf) = vrcp.f32 v41;
	v41 =	vmul.f32 v54, v14  }
0xab: {  	v60 =	vadd.f32 v26, v1;
	(erf) = vrcp.f32 v9;
	v1 =	vmul.f32 v48, v19;
	v26 =	vld [tilespmem:$0x1FEF0]  }
0xac: {  	v57 =	vmul.f32 v48, v18;
	(erf) = vrcp.f32 v6  }
0xad: {  	[tilespmem:s13+$0xFFFFFFB0] =	vst v2;
	v6 =	vmul.f32 v61, v31;
	v2 =	vadd.f32 v41, v34;
	v34 =	vld [tilespmem:$0x1FFD0];
	(erf) = vrcp.f32 v3  }
0xae: {  	v4 =	vadd.f32 $1.000000000e+00, v4;
	(erf) = vrcp.f32 v0;
	v0 =	vmul.f32 v54, v15;
	v15 =	vld [tilespmem:$0x1FF20]  }
0xaf: {  	[tilespmem:s13+$0x20] =	vst v45;
	v41 =	vmul.f32 v61, v25;
	v3 =	vmul.f32 v63, v28;
	v45 =	vpop (erf)  }
0xb0: {  	[tilespmem:s13+$0xFFFFFFC0] =	vst v46;
	v10 =	vadd.f32 v10, v30;
	v25 =	vld [tilespmem:$0x1FF30];
	(erf) = vrcp.f32 v4;
	v55 =	vmul.f32 v61, v26;
	v46 =	vpop (erf)  }
0xb1: {  	v0 =	vadd.f32 v0, v23;
	v14 =	vmul.f32 v45, v37;
	v23 =	vmul.f32 v46, v40  }
0xb2: {  	v3 =	vadd.f32 v3, v29;
	v40 =	vmul.f32 v58, v34;
	v46 =	vmul.f32 v54, v27  }
0xb3: {  	v0 =	vadd.f32 v8, v0;
	v8 =	vmul.f32 v53, v19;
	v37 =	vmul.f32 v54, v15  }
0xb4: {  	v27 =	vld [tilespmem:$0x1FF10];
	v4 =	vpop (erf);
	v10 =	vadd.f32 v40, v10;
	v40 =	vmul.f32 v53, v18;
	v18 =	vmul.f32 v58, v31  }
0xb5: {  	v19 =	vld [tilespmem:$0x1FE90];
	v46 =	vadd.f32 v46, v22;
	v45 =	vmul.f32 v4, v50;
	v50 =	vmul.f32 v58, v25  }
0xb6: {  	v9 =	vpop (erf);
	v0 =	vadd.f32 v8, v0;
	v8 =	vmul.f32 v12, v44;
	v44 =	vmul.f32 v54, v33  }
0xb7: {  	v3 =	vadd.f32 v6, v3;
	[tilespmem:s13+$0x70] =	vst v23;
	v54 =	vmul.f32 v54, v28;
	v23 =	vpop (erf);
	v22 =	vmul.f32 v9, v39  }
0xb8: {  	v4 =	vmul.f32 v23, v42;
	v39 =	vadd.f32 v50, v46;
	v23 =	vadd.f32 v44, v21  }
0xb9: {  	[tilespmem:s13+$0x40] =	vst v14;
	v33 =	vmul.f32 v58, v27;
	v50 =	vmul.f32 v53, v16;
	v21 =	vadd.f32 v41, v43  }
0xba: {  	v12 =	vpop (erf);
	v14 =	vadd.f32 v37, v19;
	v37 =	vmul.f32 v63, v15;
	v63 =	vmul.f32 v61, v32;
	v32 =	vld [tilespmem:$0x1FF00];
	[tilespmem:s13+$0xFFFFFFF0] =	vst v22  }
0xbb: {  	v42 =	vpop (erf);
	v15 =	vsub.f32 $0.0e+00, v0;
	v22 =	vmul.f32 v61, v27;
	[tilespmem:s13+$0xFFFFFFE0] =	vst v4;
	v4 =	vmul.f32 v12, v35  }
0xbc: {  	v16 =	vld [tilespmem:$0x1FE20];
	v44 =	vpop (erf);
	v46 =	vadd.f32 v33, v23;
	v33 =	vmul.f32 v58, v26;
	v12 =	vadd.f32 v37, v19  }
0xbd: {  	v9 =	vmul.f32 v44, v38;
	v7 =	vadd.f32 v63, v7;
	v37 =	vadd.f32 v47, v39  }
0xbe: {  	v63 =	vimm.s32 $0x0;
	v38 =	vadd.f32 v40, v10;
	v41 =	vadd.f32 v50, v46  }
0xbf: {  	[tilespmem:s13+$0x0] =	vst v8;
	v5 =	vadd.f32 v22, v5;
	v10 =	vadd.f32 v54, v29;
	v8 =	vmul.f32 v61, v32  }
0xc0: {  	v35 =	vmovc v0;
	v0 =	vmul.f32 $1.442695020e+00, v15;
	v39 =	vadd.f32 v62, v3;
	v23 =	vsub.f32 $0.0e+00, v41  }
0xc1: {  	[tilespmem:s13+$0x30] =	vst v4;
	v4 =	vadd.f32 v8, v12;
	v8 =	vmul.f32 v48, v16;
	v48 =	vadd.f32 v11, v21  }
0xc2: {  	v15 =	vimm.s32 $0x2;
	v43 =	vadd.f32 v1, v7;
	v47 =	vadd.f32 v13, v5  }
0xc3: {  	v13 =	vmul.f32 v61, v25;
	v1 =	vmul.f32 $1.442695020e+00, v23;
	v50 =	vsub.f32 $0.0e+00, v48  }
0xc4: {  	v2 =	vadd.f32 v33, v2;
	v25 =	vmul.f32 v53, v16;
	v12 =	vmul.f32 v42, v36  }
0xc5: {  	v22 =	vadd.f32 v18, v10;
	(erf) = vpow2.f32 v1;
	v7 =	vmul.f32 $1.442695020e+00, v50  }
0xc6: {  	v42 =	vmul.f32 v53, v17;
	[tilespmem:s13+$0xFFFFFFD0] =	vst v12;
	v12 =	vmul.f32 v53, v20;
	v20 =	vsub.f32 $0.0e+00, v47  }
0xc7: {  	v19 =	vsub.f32 $0.0e+00, v43;
	v21 =	vmul.f32 v58, v32;
	(erf) = vpow2.f32 v7  }
0xc8: {  	v23 =	vadd.f32 v13, v59;
	v1 =	vmul.f32 $1.442695020e+00, v20;
	v40 =	vadd.f32 v12, v22  }
0xc9: {  	[tilespmem:s13+$0xFFFFFFA0] =	vst v45;
	v5 =	vmul.f32 $1.442695020e+00, v19;
	v45 =	vadd.f32 v42, v2;
	v2 =	vadd.f32 v21, v14  }
0xca: {  	v36 =	vadd.f32 v8, v4;
	v32 =	vsub.f32 $0.0e+00, v40;
	(erf) = vpow2.f32 v1  }
0xcb: {  	v46 =	vadd.f32 v49, v23;
	v42 =	vmul.f32 v61, v34;
	v49 =	vadd.f32 v25, v2  }
0xcc: {  	v34 =	vsub.f32 $0.0e+00, v38;
	(erf) = vpow2.f32 v5;
	v44 =	vmul.f32 $1.442695020e+00, v32  }
0xcd: {  	v62 =	vmul.f32 v53, v24;
	v26 =	vsub.f32 $0.0e+00, v36;
	v59 =	vsub.f32 $0.0e+00, v49  }
0xce: {  	v33 =	vsub.f32 $0.0e+00, v46;
	v58 =	vsub.f32 $0.0e+00, v45;
	v18 =	vpop (erf);
	(erf) = vpow2.f32 v44  }
0xcf: {  	v61 =	vadd.f32 v42, v56;
	v50 =	vmul.f32 $1.442695020e+00, v26;
	v6 =	vmul.f32 $1.442695020e+00, v59  }
0xd0: {  	v5 =	vmul.f32 $1.442695020e+00, v58;
	v44 =	vadd.f32 v62, v60;
	v20 =	vpop (erf);
	(erf) = vpow2.f32 v0  }
0xd1: {  	v22 =	vsub.f32 $0.0e+00, v39;
	v21 =	vmul.f32 $1.442695020e+00, v33;
	(erf) = vpow2.f32 v6  }
0xd2: {  	v24 =	vsub.f32 $0.0e+00, v44;
	v23 =	vadd.f32 $1.000000000e+00, v20;
	(erf) = vpow2.f32 v5  }
0xd3: {  	s14 =	sadd.s32 $0x2, s14;
	v42 =	vadd.f32 v57, v61;
	v19 =	vadd.f32 $1.000000000e+00, v18;
	v32 =	vpop (erf);
	(erf) = vpow2.f32 v21  }
0xd4: {  	p1 =	slt.u32 s14, $0x7E;
	v26 =	vsub.f32 $0.0e+00, v37;
	v33 =	vmul.f32 $1.442695020e+00, v24;
	(erf) = vrcp.f32 v23  }
.Ltmp0:
0xd5: {  	v53 =	vmul.f32 $1.442695020e+00, v22;
	v60 =	vpop (erf);
	v8 =	vadd.f32 $1.000000000e+00, v32;
	(erf) = vrcp.f32 v19;
	(pc) =	sbr.rel @p1 .LBB2_3-.Ltmp0, $4  }
0xd6: {  	v61 =	vadd.f32 v55, v51;
	v25 =	vsub.f32 $0.0e+00, v42;
	(erf) = vpow2.f32 v33  }
0xd7: {  	v56 =	vmul.f32 $1.442695020e+00, v26;
	v2 =	vadd.f32 $1.000000000e+00, v60;
	v62 =	vpop (erf);
	(erf) = vrcp.f32 v8  }
0xd8: {  	s17 =	sadd.s32 $0x100, s17;
	v54 =	vmul.f32 $1.442695020e+00, v25;
	v55 =	vadd.f32 $1.000000000e+00, v62;
	(erf) = vpow2.f32 v50  }
0xd9: {  	s15 =	sadd.s32 $0x6, s15;
	s16 =	sadd.s32 $0x6, s16;
	[tilespmem:s13+$0x60] =	vst v9;
	s13 =	smov.u32 s17;
	v50 =	vadd.f32 v52, v61;
	v52 =	vmul.f32 $1.442695020e+00, v34;
	(erf) = vrcp.f32 v2;
	v51 =	vpop (erf)  }
0xda: {  	(erf) = vpow2.f32 v56;
	v0 =	vpop (erf)  }
0xdb: {  	v1 =	vpop (erf);
	(erf) = vpow2.f32 v52  }
0xdc: {  	v0 =	vadd.f32 $1.000000000e+00, v0;
	v2 =	vpop (erf);
	(erf) = vpow2.f32 v54  }
0xdd: {  	v3 =	vsub.f32 $0.0e+00, v50;
	v2 =	vadd.f32 $1.000000000e+00, v2;
	v4 =	vpop (erf);
	(erf) = vpow2.f32 v53  }
0xde: {  	v1 =	vadd.f32 $1.000000000e+00, v1;
	v5 =	vpop (erf);
	(erf) = vrcp.f32 v0  }
0xdf: {  	v11 =	vmul.f32 $1.442695020e+00, v3;
	(erf) = vrcp.f32 v2;
	v33 =	vpop (erf)  }
0xe0: {  	v34 =	vpop (erf);
	(erf) = vrcp.f32 v1  }
0xe1: {  	(erf) = vpow2.f32 v11;
	v52 =	vpop (erf)  }
0xe2: {  	v53 =	vpop (erf)  }
0xe3: {  	v6 =	vpop (erf)  }
0xe4: {  	v61 =	vld [tilespmem:$0x1FFB0];
	v7 =	vpop (erf)  }
0xe5: {  	v22 =	vld [tilespmem:$0x1FFE0];
	v8 =	vpop (erf)  }
0xe6: {  	v59 =	vld [tilespmem:$0x1FFA0];
	v9 =	vpop (erf)  }
0xe7: {  	v31 =	vld [tilespmem:$0x1FFF0];
	v2 =	vadd.f32 $1.000000000e+00, v33;
	v10 =	vpop (erf)  }
0xe8: {  	v25 =	vld [tilespmem:$0x1FFD0];
	v11 =	vpop (erf)  }
0xe9: {  	v26 =	vld [tilespmem:$0x1FF70];
	v6 =	vadd.f32 $1.000000000e+00, v6;
	(erf) = vrcp.f32 v2;
	v12 =	vpop (erf)  }
0xea: {  	v32 =	vld [tilespmem:$0x1FF90];
	v54 =	vpop (erf)  }
0xeb: {  	v21 =	vld [tilespmem:$0x1FF50];
	(erf) = vrcp.f32 v6;
	v2 =	vadd.f32 $1.000000000e+00, v54  }
0xec: {  	v19 =	vld [tilespmem:$0x1FF40];
	v56 =	vadd.f32 $1.000000000e+00, v9;
	(erf) = vrcp.f32 v55  }
0xed: {  	v16 =	vld [tilespmem:$0x1FF60];
	v4 =	vmul.f32 v4, v48;
	v57 =	vadd.f32 $1.000000000e+00, v8;
	(erf) = vrcp.f32 v2  }
0xee: {  	v30 =	vld [tilespmem:$0x1FFC0];
	v58 =	vadd.f32 $1.000000000e+00, v51;
	v5 =	vmul.f32 v5, v41;
	(erf) = vrcp.f32 v56  }
0xef: {  	v17 =	vld [tilespmem:$0x1FF80];
	[tilespmem:s13+$0xFFFFFF80] =	vst v4;
	v0 =	vadd.f32 $1.000000000e+00, v52;
	v1 =	vmul.f32 v53, v43;
	(erf) = vrcp.f32 v57  }
0xf0: {  	[tilespmem:s13+$0x10] =	vst v5;
	v62 =	vadd.f32 $1.000000000e+00, v7;
	v8 =	vmul.f32 v34, v47;
	(erf) = vrcp.f32 v58  }
0xf1: {  	[tilespmem:s13+$0xFFFFFFB0] =	vst v1;
	v60 =	vmul.f32 v10, v49;
	(erf) = vrcp.f32 v0  }
0xf2: {  	[tilespmem:s13+$0xFFFFFF90] =	vst v8;
	v11 =	vmul.f32 v11, v46;
	v9 =	vpop (erf);
	(erf) = vrcp.f32 v62  }
0xf3: {  	v7 =	vmul.f32 v12, v45;
	[tilespmem:s13+$0x50] =	vst v60  }
0xf4: {  	[tilespmem:s13+$0xFFFFFFC0] =	vst v11;
	v10 =	vpop (erf);
	v3 =	vmul.f32 v9, v44  }
0xf5: {  	[tilespmem:s13+$0x20] =	vst v7;
	v33 =	vpop (erf);
	v34 =	vmul.f32 v10, v37  }
0xf6: {  	v0 =	vmul.f32 v33, v40;
	[tilespmem:s13+$0x0] =	vst v3;
	v37 =	vpop (erf)  }
0xf7: {  	[tilespmem:s13+$0x40] =	vst v34;
	v41 =	vpop (erf);
	v2 =	vmul.f32 v37, v50  }
0xf8: {  	[tilespmem:s13+$0x70] =	vst v0;
	v43 =	vpop (erf);
	v4 =	vmul.f32 v41, v39  }
0xf9: {  	v45 =	vmul.f32 v43, v42;
	v46 =	vpop (erf);
	[tilespmem:s13+$0xFFFFFFA0] =	vst v2  }
0xfa: {  	v47 =	vpop (erf);
	v48 =	vmul.f32 v46, v35;
	[tilespmem:s13+$0xFFFFFFF0] =	vst v4  }
0xfb: {  	[tilespmem:s13+$0xFFFFFFE0] =	vst v45;
	v49 =	vpop (erf);
	v50 =	vmul.f32 v47, v36  }
0xfc: {  	v1 =	vmul.f32 v49, v38;
	[tilespmem:s13+$0x30] =	vst v48  }
0xfd: {  	[tilespmem:s13+$0xFFFFFFD0] =	vst v50  }
0xfe: {  	[tilespmem:s13+$0x60] =	vst v1  }
0xff: {  	v0 =	vld [tilespmem:s31+$0x0];
	_ =	sdelay $0x4  }
0x100: {  	(v2sf) =	vpush v0, $0x0;
	_ =	sdelay $0x2  }
0x101: {  	v51 =	vld [tilespmem:s31+$0xFFFFFFFF];
	_ =	sdelay $0x4  }
0x102: {  	(v2sf) =	vpush v51, $0x0;
	_ =	sdelay $0x2  }
0x103: {  	v1 =	vld [tilespmem:s25+$0x0];
	_ =	sdelay $0x3  }
0x104: {  	s7 =	spop (v2sf)  }
0x105: {  	(v2sf) =	vpush v1, $0x0;
	s7 =	sshll.u32 s7, $0x9  }
0x106: {  	v52 =	vld [tilespmem:s25+$0xFFFFFFFF];
	s7 =	sshra.s32 s7, $0x2  }
0x107: {  	v53 =	vld [tilespmem:s7+$0x2980]  }
0x108: {  	v2 =	vld [tilespmem:s7+$0x2990]  }
0x109: {  	v54 =	vld [tilespmem:s7+$0x29A0]  }
0x10a: {  	v4 =	vld [tilespmem:s7+$0x29B0]  }
0x10b: {  	v5 =	vld [tilespmem:s7+$0x29C0]  }
0x10c: {  	s15 =	spop (v2sf);
	v6 =	vld [tilespmem:s7+$0x29D0]  }
0x10d: {  	s13 =	sshll.u32 s15, $0x9;
	v7 =	vld [tilespmem:s7+$0x29E0]  }
0x10e: {  	(v2sf) =	vpush v52, $0x0;
	v55 =	vld [tilespmem:s7+$0x29F0];
	s17 =	sshra.s32 s13, $0x2  }
0x10f: {  	v49 =	vld [tilespmem:s17+$0x2980]  }
0x110: {  	v48 =	vld [tilespmem:s17+$0x2990]  }
0x111: {  	v47 =	vld [tilespmem:s17+$0x29A0]  }
0x112: {  	v46 =	vld [tilespmem:s17+$0x29B0]  }
0x113: {  	v45 =	vld [tilespmem:s17+$0x29C0]  }
0x114: {  	s14 =	spop (v2sf);
	v44 =	vld [tilespmem:s17+$0x29D0]  }
0x115: {  	s14 =	sshll.u32 s14, $0x9;
	v43 =	vld [tilespmem:s17+$0x29E0]  }
0x116: {  	s16 =	sshra.s32 s14, $0x2;
	v42 =	vld [tilespmem:s17+$0x29F0]  }
0x117: {  	v56 =	vld [tilespmem:s16+$0x6980]  }
0x118: {  	v57 =	vld [tilespmem:s16+$0x69F0]  }
0x119: {  	v58 =	vld [tilespmem:s16+$0x6990]  }
0x11a: {  	v60 =	vld [tilespmem:s16+$0x69A0]  }
0x11b: {  	v12 =	vld [tilespmem:s16+$0x69B0]  }
0x11c: {  	v13 =	vld [tilespmem:s16+$0x69C0]  }
0x11d: {  	v14 =	vld [tilespmem:s16+$0x69D0];
	v0 =	vadd.f32 v57, v55;
	s18 =	spop (v2sf)  }
0x11e: {  	v62 =	vld [tilespmem:s16+$0x69E0];
	s13 =	sshll.u32 s18, $0x9  }
0x11f: {  	[tilespmem:s4+$0x70] =	vst.add.f32.msk $0xffff, v0;
	s16 =	sshra.s32 s13, $0x2  }
0x120: {  	v35 =	vadd.f32 v56, v53;
	v50 =	vld [tilespmem:s16+$0x6980]  }
0x121: {  	v36 =	vadd.f32 v58, v2;
	v37 =	vadd.f32 v60, v54;
	v51 =	vld [tilespmem:s16+$0x6990]  }
0x122: {  	v39 =	vadd.f32 v12, v4;
	v40 =	vadd.f32 v13, v5;
	v52 =	vld [tilespmem:s16+$0x69A0]  }
0x123: {  	s15 =	smov.u32 s25;
	s14 =	sadd.s32 $0x2, s31;
	v41 =	vadd.f32 v14, v6;
	v38 =	vadd.f32 v62, v7;
	s13 =	simm.s32 $0x0;
	v53 =	vld [tilespmem:s16+$0x69B0]  }
.LBB2_5:
0x124: {  	v0 =	vld [tilespmem:s14+$0x0]  }
0x125: {  	v1 =	vld [tilespmem:s14+$0xFFFFFFFF];
	v2 =	vadd.f32 v50, v49  }
0x126: {  	v3 =	vld [tilespmem:s16+$0x69C0];
	v4 =	vadd.f32 v51, v48  }
0x127: {  	v5 =	vld [tilespmem:s16+$0x69D0];
	v6 =	vadd.f32 v52, v47  }
0x128: {  	v7 =	vld [tilespmem:s16+$0x69E0];
	v8 =	vadd.f32 v53, v46  }
0x129: {  	(v2sf) =	vpush v0, $0x0;
	v0 =	vld [tilespmem:s16+$0x69F0]  }
0x12a: {  	(v2sf) =	vpush v1, $0x0;
	[tilespmem:s4+$0xFFFFFF80] =	vst.add.f32.msk $0xffff, v2  }
0x12b: {  	s15 =	sadd.s32 $0x2, s15;
	[tilespmem:s4+$0xFFFFFF90] =	vst.add.f32.msk $0xffff, v4;
	v1 =	vadd.f32 v3, v45  }
0x12c: {  	v2 =	vld [tilespmem:s15+$0x0];
	v3 =	vadd.f32 v5, v44  }
0x12d: {  	s13 =	sadd.s32 $0x2, s13;
	v4 =	vld [tilespmem:s15+$0xFFFFFFFF];
	v5 =	vadd.f32 v7, v43  }
0x12e: {  	p1 =	slt.u32 s13, $0x7E;
	[tilespmem:s4+$0xFFFFFFA0] =	vst.add.f32.msk $0xffff, v6;
	v0 =	vadd.f32 v0, v42  }
0x12f: {  	[tilespmem:s4+$0xFFFFFFB0] =	vst.add.f32.msk $0xffff, v8  }
0x130: {  	[tilespmem:s4+$0xFFFFFFC0] =	vst.add.f32.msk $0xffff, v1  }
0x131: {  	(v2sf) =	vpush v2, $0x0;
	[tilespmem:s4+$0xFFFFFFD0] =	vst.add.f32.msk $0xffff, v3  }
0x132: {  	(v2sf) =	vpush v4, $0x0;
	[tilespmem:s4+$0xFFFFFFE0] =	vst.add.f32.msk $0xffff, v5  }
0x133: {  	[tilespmem:s4+$0xFFFFFFF0] =	vst.add.f32.msk $0xffff, v0  }
0x134: {  	[tilespmem:s4+$0x0] =	vst.add.f32.msk $0xffff, v35  }
0x135: {  	[tilespmem:s4+$0x10] =	vst.add.f32.msk $0xffff, v36  }
0x136: {  	[tilespmem:s4+$0x20] =	vst.add.f32.msk $0xffff, v37  }
0x137: {  	[tilespmem:s4+$0x30] =	vst.add.f32.msk $0xffff, v39  }
0x138: {  	s7 =	spop (v2sf);
	[tilespmem:s4+$0x40] =	vst.add.f32.msk $0xffff, v40  }
0x139: {  	s7 =	sshll.u32 s7, $0x9;
	s16 =	spop (v2sf);
	[tilespmem:s4+$0x50] =	vst.add.f32.msk $0xffff, v41  }
0x13a: {  	s16 =	sshll.u32 s16, $0x9;
	s7 =	sshra.s32 s7, $0x2;
	[tilespmem:s4+$0x60] =	vst.add.f32.msk $0xffff, v38  }
0x13b: {  	s17 =	sshra.s32 s16, $0x2;
	v0 =	vld [tilespmem:s7+$0x2980]  }
0x13c: {  	v1 =	vld [tilespmem:s7+$0x2990]  }
0x13d: {  	v2 =	vld [tilespmem:s7+$0x29A0]  }
0x13e: {  	v3 =	vld [tilespmem:s7+$0x29B0]  }
0x13f: {  	v4 =	vld [tilespmem:s7+$0x29C0]  }
0x140: {  	v5 =	vld [tilespmem:s7+$0x29D0];
	s16 =	spop (v2sf)  }
0x141: {  	v6 =	vld [tilespmem:s7+$0x29E0];
	s16 =	sshll.u32 s16, $0x9;
	s18 =	spop (v2sf)  }
0x142: {  	s18 =	sshll.u32 s18, $0x9;
	v7 =	vld [tilespmem:s7+$0x29F0];
	s7 =	sshra.s32 s16, $0x2  }
0x143: {  	s16 =	sshra.s32 s18, $0x2;
	v8 =	vld [tilespmem:s7+$0x6980]  }
0x144: {  	v9 =	vld [tilespmem:s7+$0x69F0]  }
0x145: {  	v10 =	vld [tilespmem:s7+$0x6990]  }
0x146: {  	v11 =	vld [tilespmem:s7+$0x69A0]  }
0x147: {  	v12 =	vld [tilespmem:s7+$0x69B0]  }
0x148: {  	v13 =	vld [tilespmem:s7+$0x69C0];
	v35 =	vadd.f32 v8, v0  }
0x149: {  	v0 =	vld [tilespmem:s7+$0x69D0];
	v7 =	vadd.f32 v9, v7  }
0x14a: {  	s4 =	sadd.s32 $0x100, s4;
	v8 =	vld [tilespmem:s7+$0x69E0];
	v36 =	vadd.f32 v10, v1  }
0x14b: {  	v37 =	vadd.f32 v11, v2;
	[tilespmem:s4+$0x70] =	vst.add.f32.msk $0xffff, v7  }
0x14c: {  	v49 =	vld [tilespmem:s17+$0x2980];
	v39 =	vadd.f32 v12, v3  }
0x14d: {  	v48 =	vld [tilespmem:s17+$0x2990];
	v40 =	vadd.f32 v13, v4  }
0x14e: {  	v47 =	vld [tilespmem:s17+$0x29A0];
	v41 =	vadd.f32 v0, v5  }
0x14f: {  	v46 =	vld [tilespmem:s17+$0x29B0];
	v38 =	vadd.f32 v8, v6  }
0x150: {  	v45 =	vld [tilespmem:s17+$0x29C0]  }
0x151: {  	v44 =	vld [tilespmem:s17+$0x29D0]  }
0x152: {  	v43 =	vld [tilespmem:s17+$0x29E0]  }
.Ltmp1:
0x153: {  	v42 =	vld [tilespmem:s17+$0x29F0];
	(pc) =	sbr.rel @p1 .LBB2_5-.Ltmp1, $4  }
0x154: {  	v50 =	vld [tilespmem:s16+$0x6980]  }
0x155: {  	v51 =	vld [tilespmem:s16+$0x6990]  }
0x156: {  	v52 =	vld [tilespmem:s16+$0x69A0]  }
0x157: {  	s14 =	sadd.s32 $0x2, s14;
	v53 =	vld [tilespmem:s16+$0x69B0]  }
0x158: {  	v0 =	vld [tilespmem:s16+$0x69C0]  }
0x159: {  	v1 =	vld [tilespmem:s16+$0x69D0]  }
0x15a: {  	v3 =	vld [tilespmem:s16+$0x69E0]  }
0x15b: {  	v5 =	vld [tilespmem:s16+$0x69F0]  }
0x15c: {  	[tilespmem:s4+$0x0] =	vst.add.f32.msk $0xffff, v35  }
0x15d: {  	[tilespmem:s4+$0x10] =	vst.add.f32.msk $0xffff, v36  }
0x15e: {  	[tilespmem:s4+$0x20] =	vst.add.f32.msk $0xffff, v37  }
0x15f: {  	[tilespmem:s4+$0x30] =	vst.add.f32.msk $0xffff, v39  }
0x160: {  	[tilespmem:s4+$0x40] =	vst.add.f32.msk $0xffff, v40  }
0x161: {  	[tilespmem:s4+$0x50] =	vst.add.f32.msk $0xffff, v41;
	v2 =	vadd.f32 v50, v49  }
0x162: {  	[tilespmem:s4+$0x60] =	vst.add.f32.msk $0xffff, v38;
	v4 =	vadd.f32 v51, v48  }
0x163: {  	v6 =	vadd.f32 v52, v47;
	[tilespmem:s4+$0xFFFFFF80] =	vst.add.f32.msk $0xffff, v2  }
0x164: {  	v14 =	vadd.f32 v53, v46;
	[tilespmem:s4+$0xFFFFFF90] =	vst.add.f32.msk $0xffff, v4  }
0x165: {  	v0 =	vadd.f32 v0, v45;
	[tilespmem:s4+$0xFFFFFFA0] =	vst.add.f32.msk $0xffff, v6  }
0x166: {  	v1 =	vadd.f32 v1, v44;
	[tilespmem:s4+$0xFFFFFFB0] =	vst.add.f32.msk $0xffff, v14  }
0x167: {  	v20 =	vadd.f32 v3, v43;
	[tilespmem:s4+$0xFFFFFFC0] =	vst.add.f32.msk $0xffff, v0  }
0x168: {  	v23 =	vadd.f32 v5, v42;
	[tilespmem:s4+$0xFFFFFFD0] =	vst.add.f32.msk $0xffff, v1  }
0x169: {  	s2 =	sshll.u32 s2, $0x4;
	[tilespmem:s4+$0xFFFFFFE0] =	vst.add.f32.msk $0xffff, v20  }
0x16a: {  	s2 =	sadd.s32 s5, s2;
	[tilespmem:s4+$0xFFFFFFF0] =	vst.add.f32.msk $0xffff, v23  }
0x16b: {  	[hbm4b:s2+s6] =	stream.linear.scatter [tilespmem:s19], [sflag:$0x1], $0x4000, $0x38;
	[tilespmem:$0x1EB80] =	vst v63  }
0x16c: {  	s2 =	simm.s32 @!p0 $0x2  }
0x16d: {  	_ =	swait.ge @!p0 [sflag:s2], $0x4000  }
0x16e: {  	[sflag:s2] =	ssyncset.done @!p0 $0x0  }
0x16f: {  	s17 =	simm.s32 $0x0;
	s18 =	sadd.s32 $0x0, s26;
	[sflag:s2] =	ssyncadd.s32 @!p0 $0xFFFFC000  }
0x170: {  	s4 =	sand.u32 $0x3F80, s18;
	s2 =	sand.u32 $0x7E, s17;
	v24 =	vld [tilespmem:s28+$0x0]  }
0x171: {  	s2 =	sor.u32 s2, s4  }
0x172: {  	v27 =	vld [tilespmem:s2+$0x1100]  }
0x173: {  	v58 =	vld [tilespmem:$0x1FE00]  }
0x174: {  	v60 =	vld [tilespmem:$0x1FE10]  }
0x175: {  	v57 =	vimm.s32 $0x1;
	v2 =	vperm.xlane v24, v63  }
0x176: {  	v3 =	vperm.xlane v24, v15;
	v0 =	vperm.xlane v24, v57  }
0x177: {  	v5 =	vperm.xlane v27, v63;
	v38 =	vperm.xlane v27, v15  }
0x178: {  	v1 =	vperm.xlane v27, v57;
	v28 =	vmul.f32 v2, v58  }
0x179: {  	v6 =	vmul.f32 v3, v60;
	v11 =	vmul.f32 v0, v26  }
0x17a: {  	v13 =	vmul.f32 v2, v21;
	v45 =	vmul.f32 v0, v32  }
0x17b: {  	v62 =	vld [tilespmem:$0x1FE40];
	v46 =	vmul.f32 v2, v16;
	v36 =	vmul.f32 v2, v30  }
0x17c: {  	v20 =	vld [tilespmem:$0x1FE70];
	v48 =	vmul.f32 v2, v19;
	v49 =	vmul.f32 v0, v25  }
0x17d: {  	v29 =	vld [tilespmem:$0x1FEA0];
	v50 =	vmul.f32 v3, v22;
	v52 =	vmul.f32 v2, v17  }
0x17e: {  	v18 =	vld [tilespmem:$0x1FE80];
	v24 =	vmul.f32 v3, v59;
	v7 =	vmul.f32 v5, v58  }
0x17f: {  	v27 =	vld [tilespmem:$0x1FF20];
	v8 =	vmul.f32 v5, v19;
	v9 =	vmul.f32 v5, v21  }
0x180: {  	v10 =	vmul.f32 v5, v16;
	v12 =	vmul.f32 v38, v60;
	v16 =	vld [tilespmem:$0x1FE50]  }
0x181: {  	v14 =	vmul.f32 v38, v31;
	v15 =	vmul.f32 v5, v17;
	v19 =	vld [tilespmem:$0x1FF30];
	v4 =	vadd.f32 v28, v62  }
0x182: {  	v23 =	vmovc v61;
	v54 =	vmul.f32 v1, v26;
	v26 =	vld [tilespmem:$0x1FF00];
	v47 =	vadd.f32 v46, v20;
	v13 =	vadd.f32 v13, v29  }
0x183: {  	v42 =	vmul.f32 v38, v23;
	v17 =	vld [tilespmem:$0x1FE60];
	v37 =	vadd.f32 v48, v18;
	v7 =	vadd.f32 v7, v62  }
0x184: {  	v39 =	vmul.f32 v38, v59;
	v28 =	vld [tilespmem:$0x1FE90];
	v8 =	vadd.f32 v8, v18;
	v10 =	vadd.f32 v10, v20  }
0x185: {  	v9 =	vadd.f32 v9, v29;
	v29 =	vmul.f32 v38, v22;
	v22 =	vld [tilespmem:$0x1FE30];
	v4 =	vadd.f32 v45, v4  }
0x186: {  	v33 =	vmul.f32 v1, v32;
	v15 =	vadd.f32 v15, v16;
	v55 =	vadd.f32 v52, v16;
	v16 =	vld [tilespmem:$0x1FF10]  }
0x187: {  	v18 =	vld [tilespmem:$0x1FEE0];
	v11 =	vadd.f32 v11, v47;
	v53 =	vmul.f32 v5, v27;
	v13 =	vadd.f32 v49, v13  }
0x188: {  	v10 =	vadd.f32 v54, v10;
	v7 =	vadd.f32 v33, v7;
	v51 =	vmul.f32 v0, v19  }
0x189: {  	v35 =	vadd.f32 v50, v11;
	v20 =	vmul.f32 v1, v26;
	v36 =	vadd.f32 v36, v17  }
0x18a: {  	v32 =	vmul.f32 v1, v19;
	v44 =	vadd.f32 v53, v28;
	v43 =	vadd.f32 v29, v10  }
0x18b: {  	v48 =	vadd.f32 v14, v7;
	v29 =	vld [tilespmem:$0x1FEC0];
	v37 =	vadd.f32 v51, v37;
	v56 =	vmul.f32 v0, v16  }
0x18c: {  	v11 =	vmul.f32 v38, v22;
	v54 =	vmul.f32 v2, v18;
	v40 =	vadd.f32 v20, v44;
	v20 =	vld [tilespmem:$0x1FEF0]  }
0x18d: {  	v8 =	vadd.f32 v32, v8;
	v34 =	vmul.f32 v1, v16;
	v16 =	vld [tilespmem:$0x1FE20];
	v21 =	vadd.f32 v56, v55  }
0x18e: {  	v2 =	vmul.f32 v2, v27;
	v59 =	vsub.f32 $0.0e+00, v48;
	v37 =	vadd.f32 v6, v37  }
0x18f: {  	v44 =	vmul.f32 v3, v22;
	v49 =	vsub.f32 $0.0e+00, v43;
	v41 =	vadd.f32 v24, v21;
	v21 =	vld [tilespmem:$0x1FED0]  }
0x190: {  	v2 =	vadd.f32 v2, v28;
	v14 =	vmul.f32 $1.442695020e+00, v59;
	v32 =	vsub.f32 $0.0e+00, v37;
	v24 =	vld [tilespmem:$0x1FEB0]  }
0x191: {  	v53 =	vadd.f32 v34, v15;
	v56 =	vadd.f32 v54, v29;
	v52 =	vmul.f32 v0, v20  }
0x192: {  	v54 =	vmul.f32 v1, v25;
	v33 =	vmul.f32 v38, v16;
	v47 =	vsub.f32 $0.0e+00, v41  }
0x193: {  	v10 =	vadd.f32 v52, v36;
	v51 =	vmul.f32 v3, v16;
	v52 =	vsub.f32 $0.0e+00, v35  }
0x194: {  	v36 =	vadd.f32 v33, v40;
	v6 =	vmul.f32 $1.442695020e+00, v47;
	v15 =	vmul.f32 v3, v21  }
0x195: {  	v47 =	vadd.f32 v39, v53;
	v55 =	vmul.f32 v0, v24;
	v34 =	vmul.f32 v1, v24  }
0x196: {  	v0 =	vmul.f32 v0, v26;
	v27 =	vsub.f32 $0.0e+00, v36;
	v1 =	vmul.f32 v1, v20  }
0x197: {  	(erf) = vpow2.f32 v6;
	v46 =	vsub.f32 $0.0e+00, v47;
	v6 =	vmul.f32 $1.442695020e+00, v49  }
0x198: {  	v45 =	vadd.f32 v15, v10;
	v7 =	vadd.f32 v55, v56;
	v15 =	vmul.f32 v5, v18  }
0x199: {  	(erf) = vpow2.f32 v14;
	v0 =	vadd.f32 v0, v2;
	v14 =	vmul.f32 v3, v31  }
0x19a: {  	v50 =	vmul.f32 $1.442695020e+00, v46;
	v46 =	vadd.f32 v12, v8;
	v15 =	vadd.f32 v15, v29  }
0x19b: {  	v5 =	vmul.f32 v5, v30;
	v40 =	vadd.f32 v44, v7;
	v49 =	vadd.f32 v51, v0  }
0x19c: {  	v3 =	vmul.f32 v3, v23;
	v0 =	vadd.f32 v54, v9;
	v12 =	vsub.f32 $0.0e+00, v45  }
0x19d: {  	v44 =	vadd.f32 v14, v4;
	(erf) = vpow2.f32 v50;
	v53 =	vsub.f32 $0.0e+00, v40  }
0x19e: {  	v5 =	vadd.f32 v5, v17;
	v29 =	vmul.f32 v38, v21;
	v38 =	vadd.f32 v3, v13  }
0x19f: {  	(erf) = vpow2.f32 v6;
	v56 =	vsub.f32 $0.0e+00, v49;
	v7 =	vmul.f32 $1.442695020e+00, v53  }
0x1a0: {  	v8 =	vmul.f32 $1.442695020e+00, v52;
	v59 =	vsub.f32 $0.0e+00, v46;
	v55 =	vadd.f32 v34, v15  }
0x1a1: {  	v42 =	vadd.f32 v42, v0;
	v6 =	vmul.f32 $1.442695020e+00, v56;
	(erf) = vpow2.f32 v7  }
0x1a2: {  	v26 =	vsub.f32 $0.0e+00, v44;
	v22 =	vpop (erf);
	v7 =	vmul.f32 $1.442695020e+00, v12;
	(erf) = vpow2.f32 v8  }
0x1a3: {  	v1 =	vadd.f32 v1, v5;
	v25 =	vmul.f32 $1.442695020e+00, v59;
	v24 =	vpop (erf);
	(erf) = vpow2.f32 v6  }
0x1a4: {  	v34 =	vsub.f32 $0.0e+00, v38;
	v2 =	vadd.f32 $1.000000000e+00, v24;
	(erf) = vpow2.f32 v7  }
0x1a5: {  	v61 =	vmovc v31;
	v39 =	vadd.f32 v11, v55;
	v0 =	vadd.f32 $1.000000000e+00, v22;
	(erf) = vpow2.f32 v25  }
0x1a6: {  	v4 =	vmul.f32 $1.442695020e+00, v26;
	v31 =	vsub.f32 $0.0e+00, v42;
	v28 =	vpop (erf);
	(erf) = vrcp.f32 v2  }
0x1a7: {  	v56 =	vmul.f32 $1.442695020e+00, v32;
	(erf) = vrcp.f32 v0;
	v0 =	vadd.f32 $1.000000000e+00, v28  }
0x1a8: {  	v30 =	vsub.f32 $0.0e+00, v39;
	v2 =	vmul.f32 $1.442695020e+00, v27;
	v33 =	vpop (erf);
	(erf) = vpow2.f32 v4  }
0x1a9: {  	s1 =	sadd.s32 s1, s8;
	s13 =	simm.s32 $0x0;
	v54 =	vmul.f32 $1.442695020e+00, v31;
	v5 =	vadd.f32 $1.000000000e+00, v33;
	(erf) = vrcp.f32 v0  }
0x1aa: {  	s14 =	simm.s32 $0x6;
	s15 =	sadd.s32 $0x6, s28;
	s16 =	simm.s32 $0x1AA00;
	v50 =	vadd.f32 v29, v1;
	v53 =	vmul.f32 $1.442695020e+00, v30;
	(erf) = vpow2.f32 v2;
	v52 =	vpop (erf)  }
0x1ab: {  	s1 =	sadd.s32 $0x80, s1;
	s4 =	simm.s32 $0x1AA00;
	s2 =	simm.s32 $0x1AA00;
	v55 =	vadd.f32 $1.000000000e+00, v52;
	v52 =	vmul.f32 $1.442695020e+00, v34;
	(erf) = vrcp.f32 v5;
	v51 =	vpop (erf)  }
.LBB2_7:
0x1ac: {  	v0 =	vld [tilespmem:s15+$0x0];
	v1 =	vpop (erf);
	(erf) = vpow2.f32 v56  }
0x1ad: {  	s7 =	sadd.s32 s14, s26;
	v2 =	vsub.f32 $0.0e+00, v50;
	v3 =	vpop (erf);
	(erf) = vpow2.f32 v52  }
0x1ae: {  	s17 =	sand.u32 $0x7E, s14;
	s7 =	sand.u32 $0x3F80, s7;
	v1 =	vadd.f32 $1.000000000e+00, v1;
	v4 =	vpop (erf);
	(erf) = vpow2.f32 v54  }
0x1af: {  	v9 =	vimm.s32 $0x2;
	s7 =	sor.u32 s17, s7;
	v2 =	vmul.f32 $1.442695020e+00, v2;
	v6 =	vpop (erf);
	(erf) = vpow2.f32 v53  }
0x1b0: {  	v5 =	vld [tilespmem:s7+$0x1100];
	v8 =	vadd.f32 $1.000000000e+00, v4;
	v6 =	vmul.f32 v6, v48;
	v7 =	vpop (erf);
	(erf) = vrcp.f32 v1  }
0x1b1: {  	v26 =	vld [tilespmem:$0x1FFC0];
	v3 =	vadd.f32 $1.000000000e+00, v3;
	v54 =	vperm.xlane v0, v63;
	v53 =	vperm.xlane v0, v9  }
0x1b2: {  	v25 =	vld [tilespmem:$0x1FF50];
	v32 =	vpop (erf);
	v7 =	vmul.f32 v7, v41;
	(erf) = vrcp.f32 v8  }
0x1b3: {  	v21 =	vld [tilespmem:$0x1FED0];
	v33 =	vpop (erf);
	(erf) = vrcp.f32 v3;
	v34 =	vmul.f32 v54, v58  }
0x1b4: {  	v28 =	vld [tilespmem:$0x1FF60];
	v52 =	vpop (erf);
	v4 =	vmul.f32 v33, v47;
	(erf) = vpow2.f32 v2  }
0x1b5: {  	[tilespmem:s4+$0xFFFFFF80] =	vst v6;
	v47 =	vmul.f32 v53, v60;
	v6 =	vperm.xlane v5, v63;
	v56 =	vpop (erf);
	v63 =	vld [tilespmem:$0x1FF40]  }
0x1b6: {  	v33 =	vld [tilespmem:$0x1FF70];
	v48 =	vperm.xlane v5, v9;
	v8 =	vmul.f32 v56, v43;
	v59 =	vpop (erf)  }
0x1b7: {  	v30 =	vld [tilespmem:$0x1FE80];
	v1 =	vadd.f32 $1.000000000e+00, v32;
	v15 =	vmul.f32 v6, v58;
	v13 =	vmul.f32 v6, v26;
	v12 =	vpop (erf)  }
0x1b8: {  	v2 =	vadd.f32 $1.000000000e+00, v52;
	v58 =	vperm.xlane v0, v57;
	v52 =	vmul.f32 v48, v21;
	v14 =	vpop (erf)  }
0x1b9: {  	v3 =	vadd.f32 v34, v62;
	v21 =	vmul.f32 v53, v21;
	(erf) = vrcp.f32 v1;
	v10 =	vpop (erf)  }
0x1ba: {  	v20 =	vld [tilespmem:$0x1FE60];
	v43 =	vadd.f32 v15, v62;
	v62 =	vmul.f32 v6, v25;
	v17 =	vmul.f32 v6, v63;
	v24 =	vpop (erf)  }
0x1bb: {  	v29 =	vld [tilespmem:$0x1FF80];
	[tilespmem:s4+$0x10] =	vst v7;
	v9 =	vadd.f32 $1.000000000e+00, v59;
	v15 =	vmul.f32 v6, v28;
	v7 =	vmul.f32 v58, v33;
	v31 =	vpop (erf)  }
0x1bc: {  	v22 =	vld [tilespmem:$0x1FFB0];
	v28 =	vmul.f32 v54, v28;
	v59 =	vadd.f32 v17, v30;
	v17 =	vmul.f32 v24, v49;
	v56 =	vpop (erf)  }
0x1bd: {  	v18 =	vld [tilespmem:$0x1FEF0];
	v49 =	vmul.f32 v48, v60;
	v60 =	vpop (erf);
	(erf) = vrcp.f32 v9  }
0x1be: {  	v11 =	vadd.f32 $1.000000000e+00, v51;
	v32 =	vld [tilespmem:$0x1FEB0];
	v1 =	vmul.f32 v31, v46;
	(erf) = vrcp.f32 v55  }
0x1bf: {  	v23 =	vld [tilespmem:$0x1FEA0];
	v51 =	vadd.f32 v13, v20;
	v46 =	vmul.f32 v48, v61;
	v41 =	vmul.f32 v56, v45  }
0x1c0: {  	v24 =	vld [tilespmem:$0x1FEE0];
	v45 =	vmul.f32 v54, v25;
	v25 =	vmovc v61;
	v61 =	vperm.xlane v5, v57;
	v0 =	vadd.f32 $1.000000000e+00, v60  }
0x1c1: {  	v27 =	vld [tilespmem:$0x1FFA0];
	v10 =	vadd.f32 $1.000000000e+00, v10;
	v9 =	vmul.f32 v6, v29;
	v57 =	vmul.f32 v48, v22  }
0x1c2: {  	v14 =	vadd.f32 $1.000000000e+00, v14;
	[tilespmem:s4+$0x20] =	vst v41;
	v41 =	vld [tilespmem:$0x1FF90];
	v55 =	vmul.f32 v61, v18;
	v13 =	vpop (erf);
	(erf) = vrcp.f32 v0  }
0x1c3: {  	v34 =	vld [tilespmem:$0x1FE70];
	v5 =	vmul.f32 v61, v32;
	(erf) = vrcp.f32 v10  }
0x1c4: {  	v19 =	vld [tilespmem:$0x1FFE0];
	[tilespmem:s4+$0xFFFFFF90] =	vst v4;
	v12 =	vadd.f32 $1.000000000e+00, v12;
	(erf) = vrcp.f32 v14;
	v14 =	vmul.f32 v54, v26  }
0x1c5: {  	v31 =	vld [tilespmem:$0x1FE50];
	[tilespmem:s4+$0x50] =	vst v17;
	v56 =	vadd.f32 v62, v23;
	v4 =	vmul.f32 v6, v24;
	v24 =	vmul.f32 v54, v24  }
0x1c6: {  	v17 =	vld [tilespmem:$0x1FE30];
	[tilespmem:s4+$0xFFFFFFC0] =	vst v1;
	v0 =	vmul.f32 v48, v27;
	(erf) = vrcp.f32 v11;
	v1 =	vadd.f32 v14, v20;
	v20 =	vpop (erf)  }
0x1c7: {  	v62 =	vmul.f32 v58, v41;
	v11 =	vadd.f32 v45, v23;
	v23 =	vld [tilespmem:$0x1FFD0];
	(erf) = vrcp.f32 v2;
	v26 =	vpop (erf)  }
0x1c8: {  	v15 =	vadd.f32 v15, v34;
	(erf) = vrcp.f32 v12;
	v12 =	vmul.f32 v26, v40;
	v26 =	vld [tilespmem:$0x1FF20]  }
0x1c9: {  	v27 =	vmul.f32 v53, v27;
	v10 =	vmul.f32 v61, v41;
	v2 =	vadd.f32 v28, v34  }
0x1ca: {  	v60 =	vadd.f32 v62, v3;
	v3 =	vmul.f32 v48, v19;
	v34 =	vmul.f32 v20, v37;
	v20 =	vld [tilespmem:$0x1FEC0]  }
0x1cb: {  	v62 =	vmul.f32 v48, v17;
	v2 =	vadd.f32 v7, v2;
	v7 =	vmul.f32 v53, v19;
	v45 =	vpop (erf)  }
0x1cc: {  	v19 =	vld [tilespmem:$0x1FF30];
	v37 =	vmul.f32 v58, v23;
	v40 =	vmul.f32 v45, v50  }
0x1cd: {  	v9 =	vadd.f32 v9, v31;
	[tilespmem:s4+$0x40] =	vst v34;
	v34 =	vld [tilespmem:$0x1FE90];
	v50 =	vmul.f32 v54, v63;
	v14 =	vmul.f32 v54, v26  }
0x1ce: {  	v2 =	vadd.f32 v7, v2;
	v6 =	vmul.f32 v6, v26;
	v26 =	vmul.f32 v54, v29  }
0x1cf: {  	v7 =	vmul.f32 v13, v44;
	v28 =	vpop (erf);
	v11 =	vadd.f32 v37, v11;
	v4 =	vadd.f32 v4, v20  }
0x1d0: {  	v44 =	vmul.f32 v53, v22;
	v63 =	vpop (erf);
	v41 =	vadd.f32 v50, v30;
	v30 =	vadd.f32 v26, v31;
	v26 =	vld [tilespmem:$0x1FF10]  }
0x1d1: {  	[tilespmem:s4+$0x70] =	vst v12;
	v45 =	vmul.f32 v58, v19;
	v12 =	vmul.f32 v63, v42;
	v63 =	vsub.f32 $0.0e+00, v2  }
0x1d2: {  	v50 =	vmul.f32 v61, v33;
	v4 =	vadd.f32 v5, v4;
	v14 =	vadd.f32 v14, v34  }
0x1d3: {  	v13 =	vpop (erf);
	v29 =	vmul.f32 v28, v39;
	v28 =	vld [tilespmem:$0x1FF00];
	v39 =	vadd.f32 v45, v41;
	v6 =	vadd.f32 v6, v34  }
0x1d4: {  	v42 =	vpop (erf);
	[tilespmem:s4+$0xFFFFFFE0] =	vst v12;
	v12 =	vmul.f32 v13, v35;
	v15 =	vadd.f32 v50, v15;
	v50 =	vadd.f32 v55, v51  }
0x1d5: {  	[tilespmem:s4+$0xFFFFFFF0] =	vst v29;
	v29 =	vmul.f32 v42, v36;
	v37 =	vadd.f32 v47, v39;
	v31 =	vmul.f32 v58, v26  }
0x1d6: {  	v41 =	vpop (erf);
	v47 =	vmul.f32 v58, v18;
	v39 =	vadd.f32 v62, v4;
	v50 =	vadd.f32 v52, v50  }
0x1d7: {  	[tilespmem:s4+$0xFFFFFFB0] =	vst v8;
	v8 =	vmul.f32 v41, v38;
	v38 =	vadd.f32 v44, v11;
	v13 =	vadd.f32 v31, v30  }
0x1d8: {  	[tilespmem:s4+$0x0] =	vst v7;
	v7 =	vmul.f32 v61, v28;
	v11 =	vadd.f32 v24, v20;
	v30 =	vadd.f32 v10, v43  }
0x1d9: {  	v1 =	vadd.f32 v47, v1;
	v31 =	vmul.f32 v61, v26;
	v41 =	vadd.f32 v27, v13  }
0x1da: {  	v6 =	vadd.f32 v7, v6;
	v7 =	vmul.f32 v48, v16;
	v48 =	vadd.f32 v46, v30  }
0x1db: {  	v35 =	vmovc v2;
	v2 =	vmul.f32 $1.442695020e+00, v63;
	v9 =	vadd.f32 v31, v9;
	v45 =	vsub.f32 $0.0e+00, v41  }
0x1dc: {  	[tilespmem:s4+$0xFFFFFFD0] =	vst v29;
	v29 =	vmul.f32 v53, v17;
	v43 =	vadd.f32 v3, v15;
	v22 =	vsub.f32 $0.0e+00, v48  }
0x1dd: {  	v26 =	vmul.f32 v58, v32;
	v47 =	vadd.f32 v0, v9;
	v3 =	vmul.f32 $1.442695020e+00, v45  }
0x1de: {  	v32 =	vmul.f32 v58, v28;
	v36 =	vadd.f32 v7, v6;
	v10 =	vmul.f32 $1.442695020e+00, v22  }
0x1df: {  	v30 =	vmul.f32 v61, v19;
	v31 =	vsub.f32 $0.0e+00, v47;
	(erf) = vpow2.f32 v3  }
0x1e0: {  	v27 =	vsub.f32 $0.0e+00, v43;
	v33 =	vadd.f32 v26, v11;
	(erf) = vpow2.f32 v10  }
0x1e1: {  	v34 =	vadd.f32 v30, v59;
	v45 =	vadd.f32 v21, v1;
	v1 =	vmul.f32 $1.442695020e+00, v31  }
0x1e2: {  	[tilespmem:s4+$0xFFFFFFA0] =	vst v40;
	v42 =	vmul.f32 v53, v16;
	v40 =	vadd.f32 v29, v33;
	v3 =	vadd.f32 v32, v14  }
0x1e3: {  	v0 =	vmul.f32 $1.442695020e+00, v27;
	v46 =	vadd.f32 v49, v34;
	(erf) = vpow2.f32 v1  }
0x1e4: {  	v63 =	vimm.s32 $0x0;
	v44 =	vsub.f32 $0.0e+00, v40;
	v49 =	vadd.f32 v42, v3  }
0x1e5: {  	v6 =	vsub.f32 $0.0e+00, v36;
	v11 =	vmul.f32 v61, v23;
	(erf) = vpow2.f32 v0  }
0x1e6: {  	[tilespmem:s4+$0x30] =	vst v12;
	v26 =	vsub.f32 $0.0e+00, v39;
	v12 =	vmul.f32 $1.442695020e+00, v44;
	v20 =	vsub.f32 $0.0e+00, v49  }
0x1e7: {  	v61 =	vmovc v25;
	v13 =	vmul.f32 $1.442695020e+00, v6;
	v22 =	vmul.f32 v53, v25;
	v14 =	vsub.f32 $0.0e+00, v45  }
0x1e8: {  	v54 =	vsub.f32 $0.0e+00, v46;
	v6 =	vmul.f32 $1.442695020e+00, v20;
	v23 =	vpop (erf);
	(erf) = vpow2.f32 v12  }
0x1e9: {  	v44 =	vadd.f32 v22, v60;
	v5 =	vmul.f32 $1.442695020e+00, v14;
	v25 =	vpop (erf);
	(erf) = vpow2.f32 v2  }
0x1ea: {  	v21 =	vadd.f32 v11, v56;
	v1 =	vmul.f32 $1.442695020e+00, v54;
	(erf) = vpow2.f32 v6  }
0x1eb: {  	v28 =	vsub.f32 $0.0e+00, v44;
	v27 =	vadd.f32 $1.000000000e+00, v25;
	(erf) = vpow2.f32 v5  }
0x1ec: {  	s13 =	sadd.s32 $0x2, s13;
	v53 =	vmul.f32 $1.442695020e+00, v26;
	v24 =	vadd.f32 $1.000000000e+00, v23;
	v31 =	vpop (erf);
	(erf) = vpow2.f32 v1  }
0x1ed: {  	p0 =	slt.u32 s13, $0x7E;
	v30 =	vsub.f32 $0.0e+00, v37;
	v32 =	vmul.f32 $1.442695020e+00, v28;
	(erf) = vrcp.f32 v27  }
.Ltmp2:
0x1ee: {  	[tilespmem:s4+$0x60] =	vst v8;
	v42 =	vadd.f32 v57, v21;
	v34 =	vpop (erf);
	v8 =	vadd.f32 $1.000000000e+00, v31;
	(erf) = vrcp.f32 v24;
	(pc) =	sbr.rel @p0 .LBB2_7-.Ltmp2, $4  }
0x1ef: {  	v33 =	vsub.f32 $0.0e+00, v38;
	v56 =	vmul.f32 $1.442695020e+00, v30;
	(erf) = vpow2.f32 v32  }
0x1f0: {  	v62 =	vld [tilespmem:$0x1FE40];
	v29 =	vsub.f32 $0.0e+00, v42;
	v0 =	vadd.f32 $1.000000000e+00, v34;
	(erf) = vrcp.f32 v8  }
0x1f1: {  	s16 =	sadd.s32 $0x100, s16;
	v58 =	vld [tilespmem:$0x1FE00];
	v52 =	vmul.f32 $1.442695020e+00, v33;
	v57 =	vimm.s32 $0x1;
	v51 =	vpop (erf);
	(erf) = vpow2.f32 v13  }
0x1f2: {  	s14 =	sadd.s32 $0x6, s14;
	s15 =	sadd.s32 $0x6, s15;
	s4 =	smov.u32 s16;
	v60 =	vld [tilespmem:$0x1FE10];
	v54 =	vmul.f32 $1.442695020e+00, v29;
	v55 =	vadd.f32 $1.000000000e+00, v51;
	(erf) = vrcp.f32 v0;
	v51 =	vpop (erf)  }
0x1f3: {  	(erf) = vpow2.f32 v56;
	v0 =	vpop (erf)  }
0x1f4: {  	v1 =	vpop (erf);
	(erf) = vpow2.f32 v52  }
0x1f5: {  	v3 =	vsub.f32 $0.0e+00, v50;
	v0 =	vadd.f32 $1.000000000e+00, v0;
	v2 =	vpop (erf);
	(erf) = vpow2.f32 v54  }
0x1f6: {  	v2 =	vadd.f32 $1.000000000e+00, v2;
	v4 =	vpop (erf);
	(erf) = vpow2.f32 v53  }
0x1f7: {  	v1 =	vadd.f32 $1.000000000e+00, v1;
	v5 =	vpop (erf);
	(erf) = vrcp.f32 v0  }
0x1f8: {  	v59 =	vld [tilespmem:$0x1FEE0];
	v13 =	vmul.f32 $1.442695020e+00, v3;
	(erf) = vrcp.f32 v2;
	v14 =	vpop (erf)  }
0x1f9: {  	v32 =	vld [tilespmem:$0x1FEF0];
	v3 =	vpop (erf);
	(erf) = vrcp.f32 v1  }
0x1fa: {  	v31 =	vld [tilespmem:$0x1FF00];
	(erf) = vpow2.f32 v13;
	v52 =	vpop (erf)  }
0x1fb: {  	v26 =	vld [tilespmem:$0x1FF10];
	v53 =	vpop (erf)  }
0x1fc: {  	v25 =	vld [tilespmem:$0x1FFB0];
	v6 =	vpop (erf)  }
0x1fd: {  	v18 =	vld [tilespmem:$0x1FFE0];
	v7 =	vpop (erf)  }
0x1fe: {  	v17 =	vld [tilespmem:$0x1FF30];
	v8 =	vpop (erf)  }
0x1ff: {  	v16 =	vld [tilespmem:$0x1FFD0];
	v9 =	vpop (erf)  }
0x200: {  	v22 =	vld [tilespmem:$0x1FF20];
	v2 =	vadd.f32 $1.000000000e+00, v14;
	v10 =	vpop (erf)  }
0x201: {  	v33 =	vld [tilespmem:$0x1FFA0];
	v11 =	vpop (erf)  }
0x202: {  	v30 =	vld [tilespmem:$0x1FFC0];
	v6 =	vadd.f32 $1.000000000e+00, v6;
	(erf) = vrcp.f32 v2;
	v12 =	vpop (erf)  }
0x203: {  	v24 =	vld [tilespmem:$0x1FF90];
	v54 =	vpop (erf)  }
0x204: {  	v28 =	vld [tilespmem:$0x1FF70];
	(erf) = vrcp.f32 v6;
	v2 =	vadd.f32 $1.000000000e+00, v54  }
0x205: {  	v34 =	vld [tilespmem:$0x1FF60];
	v56 =	vadd.f32 $1.000000000e+00, v9;
	(erf) = vrcp.f32 v55  }
0x206: {  	v27 =	vld [tilespmem:$0x1FF50];
	v4 =	vmul.f32 v4, v48;
	v9 =	vadd.f32 $1.000000000e+00, v8;
	(erf) = vrcp.f32 v2  }
0x207: {  	v20 =	vld [tilespmem:$0x1FF80];
	v5 =	vmul.f32 v5, v41;
	v13 =	vadd.f32 $1.000000000e+00, v51;
	(erf) = vrcp.f32 v56  }
0x208: {  	v29 =	vld [tilespmem:$0x1FF40];
	[tilespmem:s4+$0xFFFFFF80] =	vst v4;
	v48 =	vmul.f32 v3, v47;
	v0 =	vadd.f32 $1.000000000e+00, v52;
	(erf) = vrcp.f32 v9  }
0x209: {  	[tilespmem:s4+$0x10] =	vst v5;
	v1 =	vmul.f32 v53, v43;
	v41 =	vadd.f32 $1.000000000e+00, v7;
	(erf) = vrcp.f32 v13  }
0x20a: {  	[tilespmem:s4+$0xFFFFFF90] =	vst v48;
	v14 =	vmul.f32 v10, v49;
	(erf) = vrcp.f32 v0  }
0x20b: {  	[tilespmem:s4+$0xFFFFFFB0] =	vst v1;
	v52 =	vmul.f32 v11, v46;
	v49 =	vpop (erf);
	(erf) = vrcp.f32 v41  }
0x20c: {  	v45 =	vmul.f32 v12, v45;
	[tilespmem:s4+$0x50] =	vst v14  }
0x20d: {  	[tilespmem:s4+$0xFFFFFFC0] =	vst v52;
	v51 =	vpop (erf);
	v3 =	vmul.f32 v49, v44  }
0x20e: {  	[tilespmem:s4+$0x20] =	vst v45;
	v53 =	vpop (erf);
	v54 =	vmul.f32 v51, v37  }
0x20f: {  	v0 =	vmul.f32 v53, v40;
	[tilespmem:s4+$0x0] =	vst v3;
	v55 =	vpop (erf)  }
0x210: {  	[tilespmem:s4+$0x40] =	vst v54;
	v56 =	vpop (erf);
	v2 =	vmul.f32 v55, v50  }
0x211: {  	[tilespmem:s4+$0x70] =	vst v0;
	v8 =	vpop (erf);
	v4 =	vmul.f32 v56, v39  }
0x212: {  	v9 =	vmul.f32 v8, v42;
	v10 =	vpop (erf);
	[tilespmem:s4+$0xFFFFFFA0] =	vst v2  }
0x213: {  	v11 =	vpop (erf);
	v12 =	vmul.f32 v10, v35;
	[tilespmem:s4+$0xFFFFFFF0] =	vst v4  }
0x214: {  	[tilespmem:s4+$0xFFFFFFE0] =	vst v9;
	v13 =	vpop (erf);
	v14 =	vmul.f32 v11, v36  }
0x215: {  	v1 =	vmul.f32 v13, v38;
	[tilespmem:s4+$0x30] =	vst v12  }
0x216: {  	[tilespmem:s4+$0xFFFFFFD0] =	vst v14  }
0x217: {  	[tilespmem:s4+$0x60] =	vst v1  }
0x218: {  	v0 =	vld [tilespmem:s29+$0x0];
	_ =	sdelay $0x4  }
0x219: {  	(v2sf) =	vpush v0, $0x0;
	_ =	sdelay $0x2  }
0x21a: {  	v35 =	vld [tilespmem:s29+$0xFFFFFFFF];
	_ =	sdelay $0x4  }
0x21b: {  	(v2sf) =	vpush v35, $0x0;
	_ =	sdelay $0x2  }
0x21c: {  	v1 =	vld [tilespmem:s30+$0x0];
	_ =	sdelay $0x3  }
0x21d: {  	s15 =	spop (v2sf)  }
0x21e: {  	(v2sf) =	vpush v1, $0x0;
	s4 =	sshll.u32 s15, $0x9  }
0x21f: {  	v36 =	vld [tilespmem:s30+$0xFFFFFFFF];
	s4 =	sshra.s32 s4, $0x2  }
0x220: {  	v37 =	vld [tilespmem:s4+$0x2980]  }
0x221: {  	v2 =	vld [tilespmem:s4+$0x2990]  }
0x222: {  	v3 =	vld [tilespmem:s4+$0x29A0]  }
0x223: {  	v4 =	vld [tilespmem:s4+$0x29B0]  }
0x224: {  	v5 =	vld [tilespmem:s4+$0x29C0]  }
0x225: {  	s7 =	spop (v2sf);
	v6 =	vld [tilespmem:s4+$0x29D0]  }
0x226: {  	s7 =	sshll.u32 s7, $0x9;
	v7 =	vld [tilespmem:s4+$0x29E0]  }
0x227: {  	(v2sf) =	vpush v36, $0x0;
	v38 =	vld [tilespmem:s4+$0x29F0];
	s17 =	sshra.s32 s7, $0x2  }
0x228: {  	v49 =	vld [tilespmem:s17+$0x2980]  }
0x229: {  	v48 =	vld [tilespmem:s17+$0x2990]  }
0x22a: {  	v47 =	vld [tilespmem:s17+$0x29A0]  }
0x22b: {  	v46 =	vld [tilespmem:s17+$0x29B0]  }
0x22c: {  	v45 =	vld [tilespmem:s17+$0x29C0]  }
0x22d: {  	s13 =	spop (v2sf);
	v44 =	vld [tilespmem:s17+$0x29D0]  }
0x22e: {  	s13 =	sshll.u32 s13, $0x9;
	v43 =	vld [tilespmem:s17+$0x29E0]  }
0x22f: {  	s16 =	sshra.s32 s13, $0x2;
	v42 =	vld [tilespmem:s17+$0x29F0]  }
0x230: {  	v39 =	vld [tilespmem:s16+$0x6980]  }
0x231: {  	v52 =	vld [tilespmem:s16+$0x69F0]  }
0x232: {  	v53 =	vld [tilespmem:s16+$0x6990]  }
0x233: {  	v54 =	vld [tilespmem:s16+$0x69A0]  }
0x234: {  	v55 =	vld [tilespmem:s16+$0x69B0]  }
0x235: {  	v13 =	vld [tilespmem:s16+$0x69C0]  }
0x236: {  	v14 =	vld [tilespmem:s16+$0x69D0];
	v0 =	vadd.f32 v52, v38;
	s18 =	spop (v2sf)  }
0x237: {  	v56 =	vld [tilespmem:s16+$0x69E0];
	s7 =	sshll.u32 s18, $0x9  }
0x238: {  	[tilespmem:s2+$0x70] =	vst.add.f32.msk $0xffff, v0;
	s15 =	sshra.s32 s7, $0x2  }
0x239: {  	v35 =	vadd.f32 v39, v37;
	v50 =	vld [tilespmem:s15+$0x6980]  }
0x23a: {  	v36 =	vadd.f32 v53, v2;
	v37 =	vadd.f32 v54, v3;
	v51 =	vld [tilespmem:s15+$0x6990]  }
0x23b: {  	v39 =	vadd.f32 v55, v4;
	v40 =	vadd.f32 v13, v5;
	v52 =	vld [tilespmem:s15+$0x69A0]  }
0x23c: {  	s14 =	smov.u32 s30;
	s4 =	simm.s32 $0x0;
	s13 =	sadd.s32 $0x2, s29;
	v41 =	vadd.f32 v14, v6;
	v38 =	vadd.f32 v56, v7;
	v53 =	vld [tilespmem:s15+$0x69B0]  }
.LBB2_9:
0x23d: {  	v0 =	vld [tilespmem:s13+$0x0]  }
0x23e: {  	v1 =	vld [tilespmem:s13+$0xFFFFFFFF];
	v2 =	vadd.f32 v50, v49  }
0x23f: {  	v3 =	vld [tilespmem:s15+$0x69C0];
	v4 =	vadd.f32 v51, v48  }
0x240: {  	v5 =	vld [tilespmem:s15+$0x69D0];
	v6 =	vadd.f32 v52, v47  }
0x241: {  	v7 =	vld [tilespmem:s15+$0x69E0];
	v8 =	vadd.f32 v53, v46  }
0x242: {  	(v2sf) =	vpush v0, $0x0;
	v0 =	vld [tilespmem:s15+$0x69F0]  }
0x243: {  	(v2sf) =	vpush v1, $0x0;
	[tilespmem:s2+$0xFFFFFF80] =	vst.add.f32.msk $0xffff, v2  }
0x244: {  	s14 =	sadd.s32 $0x2, s14;
	[tilespmem:s2+$0xFFFFFF90] =	vst.add.f32.msk $0xffff, v4;
	v1 =	vadd.f32 v3, v45  }
0x245: {  	v2 =	vld [tilespmem:s14+$0x0];
	v3 =	vadd.f32 v5, v44  }
0x246: {  	s4 =	sadd.s32 $0x2, s4;
	v4 =	vld [tilespmem:s14+$0xFFFFFFFF];
	v5 =	vadd.f32 v7, v43  }
0x247: {  	p0 =	slt.u32 s4, $0x7E;
	[tilespmem:s2+$0xFFFFFFA0] =	vst.add.f32.msk $0xffff, v6;
	v0 =	vadd.f32 v0, v42  }
0x248: {  	[tilespmem:s2+$0xFFFFFFB0] =	vst.add.f32.msk $0xffff, v8  }
0x249: {  	[tilespmem:s2+$0xFFFFFFC0] =	vst.add.f32.msk $0xffff, v1  }
0x24a: {  	(v2sf) =	vpush v2, $0x0;
	[tilespmem:s2+$0xFFFFFFD0] =	vst.add.f32.msk $0xffff, v3  }
0x24b: {  	(v2sf) =	vpush v4, $0x0;
	[tilespmem:s2+$0xFFFFFFE0] =	vst.add.f32.msk $0xffff, v5  }
0x24c: {  	[tilespmem:s2+$0xFFFFFFF0] =	vst.add.f32.msk $0xffff, v0  }
0x24d: {  	[tilespmem:s2+$0x0] =	vst.add.f32.msk $0xffff, v35  }
0x24e: {  	[tilespmem:s2+$0x10] =	vst.add.f32.msk $0xffff, v36  }
0x24f: {  	[tilespmem:s2+$0x20] =	vst.add.f32.msk $0xffff, v37  }
0x250: {  	[tilespmem:s2+$0x30] =	vst.add.f32.msk $0xffff, v39  }
0x251: {  	s7 =	spop (v2sf);
	[tilespmem:s2+$0x40] =	vst.add.f32.msk $0xffff, v40  }
0x252: {  	s7 =	sshll.u32 s7, $0x9;
	s15 =	spop (v2sf);
	[tilespmem:s2+$0x50] =	vst.add.f32.msk $0xffff, v41  }
0x253: {  	s15 =	sshll.u32 s15, $0x9;
	s7 =	sshra.s32 s7, $0x2;
	[tilespmem:s2+$0x60] =	vst.add.f32.msk $0xffff, v38  }
0x254: {  	s16 =	sshra.s32 s15, $0x2;
	v0 =	vld [tilespmem:s7+$0x2980]  }
0x255: {  	v1 =	vld [tilespmem:s7+$0x2990]  }
0x256: {  	v2 =	vld [tilespmem:s7+$0x29A0]  }
0x257: {  	v3 =	vld [tilespmem:s7+$0x29B0]  }
0x258: {  	v4 =	vld [tilespmem:s7+$0x29C0]  }
0x259: {  	v5 =	vld [tilespmem:s7+$0x29D0];
	s15 =	spop (v2sf)  }
0x25a: {  	v6 =	vld [tilespmem:s7+$0x29E0];
	s15 =	sshll.u32 s15, $0x9;
	s17 =	spop (v2sf)  }
0x25b: {  	s17 =	sshll.u32 s17, $0x9;
	v7 =	vld [tilespmem:s7+$0x29F0];
	s7 =	sshra.s32 s15, $0x2  }
0x25c: {  	s15 =	sshra.s32 s17, $0x2;
	v8 =	vld [tilespmem:s7+$0x6980]  }
0x25d: {  	v9 =	vld [tilespmem:s7+$0x69F0]  }
0x25e: {  	v10 =	vld [tilespmem:s7+$0x6990]  }
0x25f: {  	v11 =	vld [tilespmem:s7+$0x69A0]  }
0x260: {  	v12 =	vld [tilespmem:s7+$0x69B0]  }
0x261: {  	v13 =	vld [tilespmem:s7+$0x69C0];
	v35 =	vadd.f32 v8, v0  }
0x262: {  	v0 =	vld [tilespmem:s7+$0x69D0];
	v7 =	vadd.f32 v9, v7  }
0x263: {  	s2 =	sadd.s32 $0x100, s2;
	v8 =	vld [tilespmem:s7+$0x69E0];
	v36 =	vadd.f32 v10, v1  }
0x264: {  	v37 =	vadd.f32 v11, v2;
	[tilespmem:s2+$0x70] =	vst.add.f32.msk $0xffff, v7  }
0x265: {  	v49 =	vld [tilespmem:s16+$0x2980];
	v39 =	vadd.f32 v12, v3  }
0x266: {  	v48 =	vld [tilespmem:s16+$0x2990];
	v40 =	vadd.f32 v13, v4  }
0x267: {  	v47 =	vld [tilespmem:s16+$0x29A0];
	v41 =	vadd.f32 v0, v5  }
0x268: {  	v46 =	vld [tilespmem:s16+$0x29B0];
	v38 =	vadd.f32 v8, v6  }
0x269: {  	v45 =	vld [tilespmem:s16+$0x29C0]  }
0x26a: {  	v44 =	vld [tilespmem:s16+$0x29D0]  }
0x26b: {  	v43 =	vld [tilespmem:s16+$0x29E0]  }
.Ltmp3:
0x26c: {  	v42 =	vld [tilespmem:s16+$0x29F0];
	(pc) =	sbr.rel @p0 .LBB2_9-.Ltmp3, $4  }
0x26d: {  	v50 =	vld [tilespmem:s15+$0x6980]  }
0x26e: {  	v51 =	vld [tilespmem:s15+$0x6990]  }
0x26f: {  	v52 =	vld [tilespmem:s15+$0x69A0]  }
0x270: {  	s13 =	sadd.s32 $0x2, s13;
	v53 =	vld [tilespmem:s15+$0x69B0]  }
0x271: {  	v0 =	vld [tilespmem:s15+$0x69C0]  }
0x272: {  	v1 =	vld [tilespmem:s15+$0x69D0]  }
0x273: {  	v3 =	vld [tilespmem:s15+$0x69E0]  }
0x274: {  	v5 =	vld [tilespmem:s15+$0x69F0]  }
0x275: {  	[tilespmem:s2+$0x0] =	vst.add.f32.msk $0xffff, v35  }
0x276: {  	[tilespmem:s2+$0x10] =	vst.add.f32.msk $0xffff, v36  }
0x277: {  	[tilespmem:s2+$0x20] =	vst.add.f32.msk $0xffff, v37  }
0x278: {  	[tilespmem:s2+$0x30] =	vst.add.f32.msk $0xffff, v39  }
0x279: {  	[tilespmem:s2+$0x40] =	vst.add.f32.msk $0xffff, v40  }
0x27a: {  	[tilespmem:s2+$0x50] =	vst.add.f32.msk $0xffff, v41;
	v2 =	vadd.f32 v50, v49  }
0x27b: {  	[tilespmem:s2+$0x60] =	vst.add.f32.msk $0xffff, v38;
	v4 =	vadd.f32 v51, v48  }
0x27c: {  	v6 =	vadd.f32 v52, v47;
	[tilespmem:s2+$0xFFFFFF80] =	vst.add.f32.msk $0xffff, v2  }
0x27d: {  	v2 =	vadd.f32 v53, v46;
	[tilespmem:s2+$0xFFFFFF90] =	vst.add.f32.msk $0xffff, v4  }
0x27e: {  	v0 =	vadd.f32 v0, v45;
	[tilespmem:s2+$0xFFFFFFA0] =	vst.add.f32.msk $0xffff, v6  }
0x27f: {  	v1 =	vadd.f32 v1, v44;
	[tilespmem:s2+$0xFFFFFFB0] =	vst.add.f32.msk $0xffff, v2  }
0x280: {  	v2 =	vadd.f32 v3, v43;
	[tilespmem:s2+$0xFFFFFFC0] =	vst.add.f32.msk $0xffff, v0  }
0x281: {  	v0 =	vadd.f32 v5, v42;
	[tilespmem:s2+$0xFFFFFFD0] =	vst.add.f32.msk $0xffff, v1  }
0x282: {  	[tilespmem:s2+$0xFFFFFFE0] =	vst.add.f32.msk $0xffff, v2  }
0x283: {  	[tilespmem:s2+$0xFFFFFFF0] =	vst.add.f32.msk $0xffff, v0  }
0x284: {  	v0 =	vld [tilespmem:$0x1FE20]  }
0x285: {  	v1 =	vld [tilespmem:$0x1FE30]  }
0x286: {  	v19 =	vld [tilespmem:$0x1FE50]  }
0x287: {  	v2 =	vld [tilespmem:$0x1FE60]  }
0x288: {  	s0 =	sadd.s32 $0x1, s0;
	v8 =	vld [tilespmem:$0x1FE70]  }
0x289: {  	p0 =	sne.s32 s0, $0x8;
	v21 =	vld [tilespmem:$0x1FE80]  }
.Ltmp4:
0x28a: {  	s1 =	sshll.u32 s1, $0x4;
	v3 =	vld [tilespmem:$0x1FE90];
	(pc) =	sbr.rel @p0 .LBB2_2-.Ltmp4, $4  }
0x28b: {  	s3 =	sadd.s32 $0x300, s3;
	s24 =	sadd.s32 $0x300, s24;
	s31 =	sadd.s32 $0x100, s31;
	v4 =	vld [tilespmem:$0x1FEA0]  }
0x28c: {  	s25 =	sadd.s32 $0x100, s25;
	s26 =	sadd.s32 $0x300, s26;
	s28 =	sadd.s32 $0x300, s28;
	v5 =	vld [tilespmem:$0x1FEC0]  }
0x28d: {  	s29 =	sadd.s32 $0x100, s29;
	s30 =	sadd.s32 $0x100, s30;
	s1 =	sadd.s32 s5, s1;
	v6 =	vld [tilespmem:$0x1FED0]  }
0x28e: {  	v15 =	vimm.s32 $0x2;
	[hbm4b:s1+s6] =	stream.linear.scatter [tilespmem:s20], [sflag:$0x2], $0x4000, $0x38;
	v7 =	vld [tilespmem:$0x1FEB0]  }
0x28f: {  	s23 =	sadd.s32 $0x1, s23  }
0x290: {  	_ =	swait.ge [sflag:s21], $0x4000;
	p0 =	sne.s32 s23, s12  }
.Ltmp5:
0x291: {  	[sflag:s21] =	ssyncset.done $0x0;
	(pc) =	sbr.rel @p0 .LBB2_1-.Ltmp5, $4  }
0x292: {  	[sflag:s21] =	ssyncadd.s32 $0xFFFFC000  }
0x293: {  	_ =	swait.ge [sflag:s22], $0x4000  }
0x294: {  	[sflag:s22] =	ssyncset.done $0x0  }
0x295: {  	[sflag:s22] =	ssyncadd.s32 $0xFFFFC000  }
0x296: {  	_ =	sfence.sel $0x180000  }
0x297: {  	[bflag:$0x0] =	sbarrier.arrive $0xFFFF  }
0x298: {  	_ =	strace $0x90000047  }
0x299: {  	s0 =	stileid.u32;
	[bflag:$0x2] =	sbarrier.arrive $0xFFFF  }
0x29a: {  	p0 =	sne.s32 s0, $0x0;
	s0 =	rddreg [dreg:$0x5]  }
0x29b: {  	s0 =	sadd.s32 @!p0 $0x100000, s0  }
0x29c: {  	[sflag:s0] =	ssyncadd.tile.s32 @!p0 $0x1;
	_ =	shalt  }
.Lfunc_end2:
_tile_overlayer_lowered:
.L_overlay_start_2:
0x29d: {  	(tag) =	ssettag $0x2  }
0x29e: {  	s0 =	rddreg [dreg:$0x0];
	s2 =	stileid.u32  }
0x29f: {  	s1 =	rddreg [dreg:$0x1];
	p0 =	sne.s32 s2, $0x0  }
0x2a0: {  	s3 =	rddreg [dreg:$0x2];
	[bflag:$0x3] =	sbarrier.arrive $0xFFFF;
	s2 =	simm.s32 @!p0 $0x1C03  }
0x2a1: {  	[timem:s3], [sflag:s2] =	dma.local @!p0 [hbm:s0], s1  }
0x2a2: {  	s0 =	simm.s32 @!p0 $0x3  }
0x2a3: {  	_ =	swait.ge @!p0 [sflag:s0], s1  }
0x2a4: {  	s1 =	ssub.s32 @!p0 $0x0, s1;
	[sflag:s0] =	ssyncset.done @!p0 $0x0  }
0x2a5: {  	[sflag:s0] =	ssyncadd.s32 @!p0 s1  }
0x2a6: {  	[bflag:$0x3] =	sbarrier.arrive $0xFFFF  }
0x2a7: {  	_ =	shalt  }

</sc_bundles>
